<compile_context>
chip_gen: v7x
topology: tpu7x:2x2x1
jax: 0.10.2.dev20260603
libtpu: 0.0.44.dev20260713+nightly
codegen_flags: <defaults>
</compile_context>

<pallas_src>
import functools

import jax
import jax.numpy as jnp
from jax import lax
from jax.experimental import pallas as pl
from jax.experimental.pallas import tpu as pltpu
from jax.experimental.pallas import tpu_sc as plsc

NN = 10000
EE = 320000
DD = 128
HH = 128

NC, NS, LL = 2, 16, 16
NW = NC * NS
CH = 128
EPW_RAW = EE // NW
NCH = (EPW_RAW + CH - 1) // CH
EPW = NCH * CH
NT = EPW
RPT = NT // NS




def _mm_body(x_ref, w_ref, o_ref):
    o_ref[...] = jnp.dot(x_ref[...], w_ref[...],
                         preferred_element_type=jnp.float32)


def _tc_matmul(x, w):
    return pl.pallas_call(
        _mm_body,
        out_shape=jax.ShapeDtypeStruct((x.shape[0], w.shape[1]), jnp.float32),
    )(x, w)


def _prep_body(deg_ref, xw_ref, dinv_ref, u_ref):
    deg = deg_ref[0, :] + deg_ref[1, :] + 1.0
    dinv = lax.rsqrt(deg)
    dinv_ref[...] = dinv[:, None]
    u_ref[...] = dinv[:, None] * xw_ref[...]


def _tc_prep(degcols, xw):
    return pl.pallas_call(
        _prep_body,
        out_shape=(
            jax.ShapeDtypeStruct((NN, 1), jnp.float32),
            jax.ShapeDtypeStruct((NN, DD), jnp.float32),
        ),
    )(degcols, xw)


def _gi_body(s0_ref, s1_ref, xw_ref, dinv_ref, bg_ref, wiht_ref, bih_ref,
             bhh_ref, gi_ref):
    dinv = dinv_ref[...]
    agg = dinv * (s0_ref[...] + s1_ref[...]) \
        + (dinv * dinv) * xw_ref[...] + bg_ref[...]
    xg = jnp.maximum(agg, 0.0)
    cols = lax.broadcasted_iota(jnp.int32, (1, 3 * HH), 1)
    rz = cols < 2 * HH
    gi = jnp.dot(xg, wiht_ref[...],
                 preferred_element_type=jnp.float32) + bih_ref[...] \
        + jnp.where(rz, bhh_ref[...], 0.0)
    gi_ref[...] = gi * jnp.where(rz, 0.5, 1.0)


def _tc_gi(s0, s1, xw, dinv, b_gcn, w_ih, b_ih, b_hh):
    return pl.pallas_call(
        _gi_body,
        out_shape=jax.ShapeDtypeStruct((NN, 3 * HH), jnp.float32),
    )(s0, s1, xw, dinv, b_gcn, w_ih, b_ih, b_hh)


def _gru_body(gi_ref, whht_ref, bhh_ref, we_ref, be_ref, y_ref, hl_ref,
              seq_ref):
    cols = lax.broadcasted_iota(jnp.int32, (1, 3 * HH), 1)
    csc = jnp.where(cols < 2 * HH, 0.5, 1.0)
    whh = whht_ref[...] * csc
    bhh_n = bhh_ref[...][:, 2 * HH:]

    def step(t, h):
        gi = gi_ref[pl.ds(t, 1), :]
        gh = jnp.dot(h, whh, preferred_element_type=jnp.float32)
        rz = jnp.tanh(gi[:, 0:2 * HH] + gh[:, 0:2 * HH])
        r = 0.5 + 0.5 * rz[:, 0:HH]
        z = 0.5 + 0.5 * rz[:, HH:2 * HH]
        n = jnp.tanh(gi[:, 2 * HH:] + r * (gh[:, 2 * HH:] + bhh_n))
        h2 = n + z * (h - n)
        seq_ref[pl.ds(t, 1), :] = h2
        return h2

    def step4(i, h):
        h = step(4 * i, h)
        h = step(4 * i + 1, h)
        h = step(4 * i + 2, h)
        return step(4 * i + 3, h)

    h_last = lax.fori_loop(0, NN // 4, step4, jnp.zeros((1, HH), jnp.float32))
    hl_ref[...] = h_last
    y_ref[...] = 0.5 * (jnp.dot(seq_ref[...], we_ref[...],
                                preferred_element_type=jnp.float32)
                        + be_ref[...])


def _tc_gru(gi, w_hh, b_hh, w_edge, b_edge):
    return pl.pallas_call(
        _gru_body,
        out_shape=(
            jax.ShapeDtypeStruct((NN, HH), jnp.float32),
            jax.ShapeDtypeStruct((1, HH), jnp.float32),
        ),
        scratch_shapes=[pltpu.VMEM((NN, HH), jnp.float32)],
    )(gi, w_hh, b_hh, w_edge, b_edge)



def _sc_deg_body(dst_hbm, zeros_hbm, ones_hbm, out_hbm, idx_v, ones_v, shared):
    c = lax.axis_index("c")
    s = lax.axis_index("s")
    wid = c * NS + s
    pltpu.sync_copy(zeros_hbm, shared.at[pl.ds(s * RPT, RPT)])
    pltpu.sync_copy(dst_hbm.at[wid], idx_v)
    pltpu.sync_copy(ones_hbm, ones_v)
    plsc.subcore_barrier()

    def body(j, carry):
        pltpu.sync_copy(ones_v, shared.at[idx_v.at[j]], add=True)
        return carry

    lax.fori_loop(0, NCH, body, 0)
    plsc.subcore_barrier()
    pltpu.sync_copy(shared.at[pl.ds(s * RPT, RPT)],
                    out_hbm.at[c, pl.ds(s * RPT, RPT)])


def _sc_scatter_body(u_hbm, src_hbm, dst_hbm, zeros_hbm, out_hbm,
                     idxr_v, idxc_v, rows0, sem0, shared):
    c = lax.axis_index("c")
    s = lax.axis_index("s")
    wid = c * NS + s
    pltpu.sync_copy(zeros_hbm, shared.at[pl.ds(s * RPT, RPT)])
    pltpu.sync_copy(src_hbm.at[wid], idxr_v)
    pltpu.sync_copy(dst_hbm.at[wid], idxc_v)
    plsc.subcore_barrier()

    def body(j, carry):
        pltpu.async_copy(u_hbm.at[idxr_v.at[j]], rows0, sem0).wait()
        pltpu.sync_copy(rows0, shared.at[idxc_v.at[j]], add=True)
        return carry

    lax.fori_loop(0, NCH, body, 0)
    plsc.subcore_barrier()
    pltpu.sync_copy(shared.at[pl.ds(s * RPT, RPT)],
                    out_hbm.at[c, pl.ds(s * RPT, RPT)])


def _sc_edge_body(y_hbm, src_hbm, dst_hbm, out_hbm,
                  idxr_v, idxc_v, ra0, rb0, ra1, rb1, sa0, sb0, sa1, sb1):
    c = lax.axis_index("c")
    s = lax.axis_index("s")
    wid = c * NS + s
    pltpu.sync_copy(src_hbm.at[wid], idxr_v)
    pltpu.sync_copy(dst_hbm.at[wid], idxc_v)
    pltpu.async_copy(y_hbm.at[idxr_v.at[0]], ra0, sa0)
    pltpu.async_copy(y_hbm.at[idxc_v.at[0]], rb0, sb0)

    def half(j, ra, rb, sa, sb, ra_n, rb_n, sa_n, sb_n):
        @pl.when(j + 1 < NCH)
        def _():
            pltpu.async_copy(y_hbm.at[idxr_v.at[j + 1]], ra_n, sa_n)
            pltpu.async_copy(y_hbm.at[idxc_v.at[j + 1]], rb_n, sb_n)

        pltpu.make_async_copy(y_hbm.at[idxr_v.at[j]], ra, sa).wait()
        pltpu.make_async_copy(y_hbm.at[idxc_v.at[j]], rb, sb).wait()

        def row(r2, carry2):
            for d in range(2):
                r = 2 * r2 + d
                for k in range(HH // LL):
                    sl = pl.ds(k * LL, LL)
                    ra[r, sl] = ra[r, sl] + rb[r, sl]
            return carry2

        lax.fori_loop(0, CH // 2, row, 0)
        pltpu.sync_copy(ra, out_hbm.at[wid, pl.ds(j * CH, CH)])

    def body(j2, carry):
        j = 2 * j2
        half(j, ra0, rb0, sa0, sb0, ra1, rb1, sa1, sb1)

        @pl.when(j + 1 < NCH)
        def _():
            half(j + 1, ra1, rb1, sa1, sb1, ra0, rb0, sa0, sb0)

        return carry

    lax.fori_loop(0, (NCH + 1) // 2, body, 0)


@functools.lru_cache(maxsize=1)
def _sc_kernels():
    mesh = plsc.VectorSubcoreMesh(core_axis_name="c", subcore_axis_name="s",
                                  num_cores=NC, num_subcores=NS)
    sc_deg = pl.kernel(
        _sc_deg_body,
        out_type=jax.ShapeDtypeStruct((NC, NT, DD), jnp.float32),
        mesh=mesh,
        scratch_types=[
            pltpu.VMEM((NCH, CH), jnp.int32),
            pltpu.VMEM((CH, DD), jnp.float32),
            pltpu.VMEM_SHARED((NT, DD), jnp.float32),
        ],
    )
    sc_scatter = pl.kernel(
        _sc_scatter_body,
        out_type=jax.ShapeDtypeStruct((NC, NT, DD), jnp.float32),
        mesh=mesh,
        scratch_types=[
            pltpu.VMEM((NCH, CH), jnp.int32),
            pltpu.VMEM((NCH, CH), jnp.int32),
            pltpu.VMEM((CH, DD), jnp.float32),
            pltpu.SemaphoreType.DMA,
            pltpu.VMEM_SHARED((NT, DD), jnp.float32),
        ],
    )
    sc_edge = pl.kernel(
        _sc_edge_body,
        out_type=jax.ShapeDtypeStruct((NW, EPW, HH), jnp.float32),
        mesh=mesh,
        scratch_types=[
            pltpu.VMEM((NCH, CH), jnp.int32),
            pltpu.VMEM((NCH, CH), jnp.int32),
            pltpu.VMEM((CH, HH), jnp.float32),
            pltpu.VMEM((CH, HH), jnp.float32),
            pltpu.VMEM((CH, HH), jnp.float32),
            pltpu.VMEM((CH, HH), jnp.float32),
            pltpu.SemaphoreType.DMA,
            pltpu.SemaphoreType.DMA,
            pltpu.SemaphoreType.DMA,
            pltpu.SemaphoreType.DMA,
        ],
    )
    return sc_deg, sc_scatter, sc_edge



def kernel(x, edge_index, W_gcn, b_gcn, w_ih, w_hh, b_ih, b_hh,
           W_edge, b_edge):
    src = edge_index[0].reshape(NW, EPW_RAW)
    dst = edge_index[1].reshape(NW, EPW_RAW)
    pad = ((0, 0), (0, EPW - EPW_RAW))
    srcp = jnp.pad(src, pad, constant_values=NN).reshape(NW, NCH, CH)
    dstp = jnp.pad(dst, pad, constant_values=NN).reshape(NW, NCH, CH)

    ones128 = jnp.ones((CH, DD), jnp.float32)
    zeros128 = jnp.zeros((RPT, DD), jnp.float32)
    sc_deg, sc_scatter, sc_edge = _sc_kernels()

    xw = _tc_matmul(x, W_gcn)
    degp = sc_deg(dstp, zeros128, ones128)
    dinv, u = _tc_prep(degp[:, :NN, 0], xw)
    u_ext = jnp.pad(u, ((0, NT - NN), (0, 0)))
    sums = sc_scatter(u_ext, srcp, dstp, zeros128)
    gi = _tc_gi(sums[0, :NN], sums[1, :NN], xw, dinv,
                b_gcn.reshape(1, HH), w_ih.T, b_ih.reshape(1, 3 * HH),
                b_hh.reshape(1, 3 * HH))
    y, h_last = _tc_gru(gi, w_hh.T, b_hh.reshape(1, 3 * HH), W_edge,
                        b_edge.reshape(1, HH))
    y_ext = jnp.pad(y, ((0, NT - NN), (0, 0)))
    eoutp = sc_edge(y_ext, srcp, dstp)
    edge_output = eoutp[:, :EPW_RAW].reshape(EE, HH)
    hidden = h_last.reshape(1, 1, HH)
    return (edge_output, hidden)

# --- scband reference (transcript-rebuilt; emitter-appended) ---
"""Pipeline reference for scband-graph-conv-rnn-71691594104970 (READ-ONLY COPY).

The authoritative reference and input builder live on the scoring server;
editing this copy changes nothing except your own understanding.
"""

import jax, jax.numpy as jnp
import numpy as np

N = 10000
E = 320000
D = 128
H = 128
O = 128


def setup_inputs(seed: int = 0) -> dict:
    key = jax.random.key(seed)
    ks = jax.random.split(key, 12)
    x = jax.random.normal(ks[0], (N, D), dtype=jnp.float32)
    edge_index = jax.random.randint(ks[1], (2, E), 0, N, dtype=jnp.int32)
    s_g = 1.0 / np.sqrt(D)
    s_h = 1.0 / np.sqrt(H)
    W_gcn = jax.random.normal(ks[2], (D, H), dtype=jnp.float32) * s_g
    b_gcn = jnp.zeros((H,), dtype=jnp.float32)
    w_ih = jax.random.uniform(ks[3], (3 * H, H), dtype=jnp.float32, minval=-s_h, maxval=s_h)
    w_hh = jax.random.uniform(ks[4], (3 * H, H), dtype=jnp.float32, minval=-s_h, maxval=s_h)
    b_ih = jax.random.uniform(ks[5], (3 * H,), dtype=jnp.float32, minval=-s_h, maxval=s_h)
    b_hh = jax.random.uniform(ks[6], (3 * H,), dtype=jnp.float32, minval=-s_h, maxval=s_h)
    W_edge = jax.random.normal(ks[7], (H, O), dtype=jnp.float32) * s_h
    b_edge = jnp.zeros((O,), dtype=jnp.float32)
    return {"x": x, "edge_index": edge_index, "W_gcn": W_gcn, "b_gcn": b_gcn,
            "w_ih": w_ih, "w_hh": w_hh, "b_ih": b_ih, "b_hh": b_hh,
            "W_edge": W_edge, "b_edge": b_edge}


def _gcn_conv(x, edge_index, W, b):
    # PyG-style GCNConv: add self-loops, symmetric normalization, scatter-add aggregate
    src = edge_index[0]
    dst = edge_index[1]
    loop = jnp.arange(N, dtype=src.dtype)
    row = jnp.concatenate([src, loop])
    col = jnp.concatenate([dst, loop])
    xw = x @ W
    deg = jnp.zeros((N,), dtype=jnp.float32).at[col].add(1.0)
    dinv = jnp.where(deg > 0, 1.0 / jnp.sqrt(deg), 0.0)
    norm = dinv[row] * dinv[col]
    out = jnp.zeros((N, xw.shape[1]), dtype=xw.dtype).at[col].add(norm[:, None] * xw[row])
    return out + b


def _gru(x_seq, w_ih, w_hh, b_ih, b_hh):
    # single-layer GRU, batch=1, PyTorch gate ordering (r, z, n)
    def step(h, xt):
        gi = xt @ w_ih.T + b_ih
        gh = h @ w_hh.T + b_hh
        i_r, i_z, i_n = jnp.split(gi, 3)
        h_r, h_z, h_n = jnp.split(gh, 3)
        r = jax.nn.sigmoid(i_r + h_r)
        z = jax.nn.sigmoid(i_z + h_z)
        n = jnp.tanh(i_n + r * h_n)
        h_new = (1.0 - z) * n + z * h
        return h_new, h_new
    h0 = jnp.zeros((H,), dtype=jnp.float32)
    h_last, out_seq = jax.lax.scan(step, h0, x_seq)
    return out_seq, h_last


def reference(x, edge_index, W_gcn, b_gcn, w_ih, w_hh, b_ih, b_hh, W_edge, b_edge):
    xg = _gcn_conv(x, edge_index, W_gcn, b_gcn)
    xg = jax.nn.relu(xg)
    out_seq, h_last = _gru(xg, w_ih, w_hh, b_ih, b_hh)
    node_embeddings = out_seq
    src = edge_index[0]
    dst = edge_index[1]
    edge_embeddings = (node_embeddings[src] + node_embeddings[dst]) / 2.0
    edge_output = edge_embeddings @ W_edge + b_edge
    hidden = h_last.reshape(1, 1, H)
    return (jnp.squeeze(edge_output), hidden)

if __name__ == "__main__":
    import jax
    _d = setup_inputs()
    print(jax.jit(kernel)(*tuple(_d.values())))

</pallas_src>

<mosaic_0001>
#map = affine_map<(d0, d1) -> (0, 0, 0)>
#map1 = affine_map<(d0, d1) -> (0, 0)>
module attributes {stable_mosaic.version = 14 : i64} {
  func.func @_sc_deg_body(%arg0: i32, %arg1: i32, %arg2: memref<32x79x128xi32, #tpu.memory_space<hbm>>, %arg3: memref<632x128xf32, #tpu.memory_space<hbm>>, %arg4: memref<128x128xf32, #tpu.memory_space<hbm>>, %arg5: memref<2x10112x128xf32, #tpu.memory_space<hbm>>, %arg6: memref<79x128xi32, #tpu.memory_space<vmem>>, %arg7: memref<128x128xf32, #tpu.memory_space<vmem>>, %arg8: memref<10112x128xf32, #tpu.memory_space<vmem_shared>>) attributes {dimension_semantics = [#tpu.dimension_semantics<core_parallel>, #tpu.dimension_semantics<subcore_parallel>], iteration_bounds = array<i64: 2, 16>, scalar_prefetch = 0 : i64, scratch_operands = 3 : i64, tpu.core_type = #tpu.core_type<sc_vector_subcore>, window_params = [{transform_indices = #map}, {transform_indices = #map1}, {transform_indices = #map1}, {transform_indices = #map}]} {
    %mul3A = arith.constant 16 : i32
    %mul3A_0 = arith.muli %arg0, %mul3A : i32
    %add3A = arith.addi %mul3A_0, %arg1 : i32
    %mul3A_1 = arith.constant 632 : i32
    %mul3A_2 = arith.muli %arg1, %mul3A_1 : i32
    "tpu.region"() ({
      %run_scoped3A = tpu.sem_alloc : memref<!tpu.dma_semaphore, #tpu.memory_space<semaphore_mem>>
      %dma_start3A = arith.constant 0 : i32
      %dma_start3A_13 = tpu.memref_slice %arg8[%mul3A_2, %dma_start3A] : memref<10112x128xf32, #tpu.memory_space<vmem_shared>> -> memref<632x128xf32, #tpu.memory_space<vmem_shared>>
      tpu.enqueue_dma source(%arg3 : memref<632x128xf32, #tpu.memory_space<hbm>>) target(%dma_start3A_13 : memref<632x128xf32, #tpu.memory_space<vmem_shared>>) target_semaphore(%run_scoped3A : memref<!tpu.dma_semaphore, #tpu.memory_space<semaphore_mem>>)
      %dma_wait3A = arith.constant 0 : i32
      %dma_wait3A_14 = tpu.memref_slice %arg8[%mul3A_2, %dma_wait3A] : memref<10112x128xf32, #tpu.memory_space<vmem_shared>> -> memref<632x128xf32, #tpu.memory_space<vmem_shared>>
      tpu.wait_dma2 semaphore(%run_scoped3A : memref<!tpu.dma_semaphore, #tpu.memory_space<semaphore_mem>>) src(%arg3 : memref<632x128xf32, #tpu.memory_space<hbm>>) dst(%dma_wait3A_14 : memref<632x128xf32, #tpu.memory_space<vmem_shared>>)
      tpu.yield
    }) : () -> ()
    "tpu.region"() ({
      %run_scoped3A = tpu.sem_alloc : memref<!tpu.dma_semaphore, #tpu.memory_space<semaphore_mem>>
      %dma_start3A = arith.constant 0 : i32
      %dma_start3A_13 = arith.constant 0 : i32
      %dma_start3A_14 = tpu.memref_slice %arg2[%add3A, %dma_start3A, %dma_start3A_13] : memref<32x79x128xi32, #tpu.memory_space<hbm>> -> memref<1x79x128xi32, #tpu.memory_space<hbm>>
      %dma_start3A_15 = tpu.memref_squeeze %dma_start3A_14 : memref<1x79x128xi32, #tpu.memory_space<hbm>> -> memref<79x128xi32, #tpu.memory_space<hbm>>
      %dma_start3A_16 = arith.constant 0 : i32
      %dma_start3A_17 = arith.constant 0 : i32
      %dma_start3A_18 = tpu.memref_slice %arg2[%add3A, %dma_start3A_16, %dma_start3A_17] : memref<32x79x128xi32, #tpu.memory_space<hbm>> -> memref<1x79x128xi32, #tpu.memory_space<hbm>>
      %dma_start3A_19 = tpu.memref_squeeze %dma_start3A_18 : memref<1x79x128xi32, #tpu.memory_space<hbm>> -> memref<79x128xi32, #tpu.memory_space<hbm>>
      tpu.enqueue_dma source(%dma_start3A_19 : memref<79x128xi32, #tpu.memory_space<hbm>>) target(%arg6 : memref<79x128xi32, #tpu.memory_space<vmem>>) target_semaphore(%run_scoped3A : memref<!tpu.dma_semaphore, #tpu.memory_space<semaphore_mem>>)
      %dma_wait3A = arith.constant 0 : i32
      %dma_wait3A_20 = arith.constant 0 : i32
      %dma_wait3A_21 = tpu.memref_slice %arg2[%add3A, %dma_wait3A, %dma_wait3A_20] : memref<32x79x128xi32, #tpu.memory_space<hbm>> -> memref<1x79x128xi32, #tpu.memory_space<hbm>>
      %dma_wait3A_22 = tpu.memref_squeeze %dma_wait3A_21 : memref<1x79x128xi32, #tpu.memory_space<hbm>> -> memref<79x128xi32, #tpu.memory_space<hbm>>
      %dma_wait3A_23 = arith.constant 0 : i32
      %dma_wait3A_24 = arith.constant 0 : i32
      %dma_wait3A_25 = tpu.memref_slice %arg2[%add3A, %dma_wait3A_23, %dma_wait3A_24] : memref<32x79x128xi32, #tpu.memory_space<hbm>> -> memref<1x79x128xi32, #tpu.memory_space<hbm>>
      %dma_wait3A_26 = tpu.memref_squeeze %dma_wait3A_25 : memref<1x79x128xi32, #tpu.memory_space<hbm>> -> memref<79x128xi32, #tpu.memory_space<hbm>>
      tpu.wait_dma2 semaphore(%run_scoped3A : memref<!tpu.dma_semaphore, #tpu.memory_space<semaphore_mem>>) src(%dma_wait3A_26 : memref<79x128xi32, #tpu.memory_space<hbm>>) dst(%arg6 : memref<79x128xi32, #tpu.memory_space<vmem>>)
      tpu.yield
    }) : () -> ()
    "tpu.region"() ({
      %run_scoped3A = tpu.sem_alloc : memref<!tpu.dma_semaphore, #tpu.memory_space<semaphore_mem>>
      tpu.enqueue_dma source(%arg4 : memref<128x128xf32, #tpu.memory_space<hbm>>) target(%arg7 : memref<128x128xf32, #tpu.memory_space<vmem>>) target_semaphore(%run_scoped3A : memref<!tpu.dma_semaphore, #tpu.memory_space<semaphore_mem>>)
      tpu.wait_dma2 semaphore(%run_scoped3A : memref<!tpu.dma_semaphore, #tpu.memory_space<semaphore_mem>>) src(%arg4 : memref<128x128xf32, #tpu.memory_space<hbm>>) dst(%arg7 : memref<128x128xf32, #tpu.memory_space<vmem>>)
      tpu.yield
    }) : () -> ()
    %barrier3A = arith.constant 0 : index
    tpu.barrier barrier_id(%barrier3A)
    %scan3A = arith.constant 0 : i32
    %scan3A_3 = arith.constant 0 : i32
    %scan3A_4 = arith.constant 79 : i32
    %scan3A_5 = arith.addi %scan3A_3, %scan3A_4 : i32
    %scan3A_6 = arith.constant 1 : i32
    scf.for %scan3A_13 = %scan3A_3 to %scan3A_5 step %scan3A_6  : i32 {
      "tpu.region"() ({
        %run_scoped3A = tpu.sem_alloc : memref<!tpu.dma_semaphore, #tpu.memory_space<semaphore_mem>>
        %dma_start3A = arith.constant 0 : i32
        %dma_start3A_14 = tpu.memref_slice %arg6[%scan3A_13, %dma_start3A] : memref<79x128xi32, #tpu.memory_space<vmem>> -> memref<1x128xi32, #tpu.memory_space<vmem>>
        %dma_start3A_15 = tpu.memref_squeeze %dma_start3A_14 : memref<1x128xi32, #tpu.memory_space<vmem>> -> memref<128xi32, #tpu.memory_space<vmem>>
        %dma_start3A_16 = arith.constant 0 : i32
        %dma_start3A_17 = arith.constant 0 : i32
        %dma_start3A_18 = tpu.memref_slice %arg8[%dma_start3A_16, %dma_start3A_17] : memref<10112x128xf32, #tpu.memory_space<vmem_shared>> -> memref<10112x128xf32, #tpu.memory_space<vmem_shared>>
        tpu.enqueue_indirect_dma source(%arg7 : memref<128x128xf32, #tpu.memory_space<vmem>>) target(%dma_start3A_18 : memref<10112x128xf32, #tpu.memory_space<vmem_shared>>) offsets(%dma_start3A_15 : memref<128xi32, #tpu.memory_space<vmem>>) semaphore(%run_scoped3A : memref<!tpu.dma_semaphore, #tpu.memory_space<semaphore_mem>>) {add = true}
        %dma_wait3A = arith.constant 0 : i32
        %dma_wait3A_19 = tpu.memref_slice %arg6[%scan3A_13, %dma_wait3A] : memref<79x128xi32, #tpu.memory_space<vmem>> -> memref<1x128xi32, #tpu.memory_space<vmem>>
        %dma_wait3A_20 = tpu.memref_squeeze %dma_wait3A_19 : memref<1x128xi32, #tpu.memory_space<vmem>> -> memref<128xi32, #tpu.memory_space<vmem>>
        %dma_wait3A_21 = arith.constant 0 : i32
        %dma_wait3A_22 = arith.constant 0 : i32
        %dma_wait3A_23 = tpu.memref_slice %arg8[%dma_wait3A_21, %dma_wait3A_22] : memref<10112x128xf32, #tpu.memory_space<vmem_shared>> -> memref<10112x128xf32, #tpu.memory_space<vmem_shared>>
        tpu.wait_indirect_dma semaphore(%run_scoped3A : memref<!tpu.dma_semaphore, #tpu.memory_space<semaphore_mem>>) src(%arg7 : memref<128x128xf32, #tpu.memory_space<vmem>>) dst(%dma_wait3A_23 : memref<10112x128xf32, #tpu.memory_space<vmem_shared>>)
        tpu.yield
      }) : () -> ()
    }
    %scan3A_7 = arith.constant 79 : i32
    %barrier3A_8 = arith.constant 0 : index
    tpu.barrier barrier_id(%barrier3A_8)
    %mul3A_9 = arith.constant 632 : i32
    %mul3A_10 = arith.muli %arg1, %mul3A_9 : i32
    %mul3A_11 = arith.constant 632 : i32
    %mul3A_12 = arith.muli %arg1, %mul3A_11 : i32
    "tpu.region"() ({
      %run_scoped3A = tpu.sem_alloc : memref<!tpu.dma_semaphore, #tpu.memory_space<semaphore_mem>>
      %dma_start3A = arith.constant 0 : i32
      %dma_start3A_13 = tpu.memref_slice %arg5[%arg0, %mul3A_12, %dma_start3A] : memref<2x10112x128xf32, #tpu.memory_space<hbm>> -> memref<1x632x128xf32, #tpu.memory_space<hbm>>
      %dma_start3A_14 = tpu.memref_squeeze %dma_start3A_13 : memref<1x632x128xf32, #tpu.memory_space<hbm>> -> memref<632x128xf32, #tpu.memory_space<hbm>>
      %dma_start3A_15 = arith.constant 0 : i32
      %dma_start3A_16 = tpu.memref_slice %arg8[%mul3A_10, %dma_start3A_15] : memref<10112x128xf32, #tpu.memory_space<vmem_shared>> -> memref<632x128xf32, #tpu.memory_space<vmem_shared>>
      tpu.enqueue_dma source(%dma_start3A_16 : memref<632x128xf32, #tpu.memory_space<vmem_shared>>) target(%dma_start3A_14 : memref<632x128xf32, #tpu.memory_space<hbm>>) target_semaphore(%run_scoped3A : memref<!tpu.dma_semaphore, #tpu.memory_space<semaphore_mem>>)
      %dma_wait3A = arith.constant 0 : i32
      %dma_wait3A_17 = tpu.memref_slice %arg5[%arg0, %mul3A_12, %dma_wait3A] : memref<2x10112x128xf32, #tpu.memory_space<hbm>> -> memref<1x632x128xf32, #tpu.memory_space<hbm>>
      %dma_wait3A_18 = tpu.memref_squeeze %dma_wait3A_17 : memref<1x632x128xf32, #tpu.memory_space<hbm>> -> memref<632x128xf32, #tpu.memory_space<hbm>>
      %dma_wait3A_19 = arith.constant 0 : i32
      %dma_wait3A_20 = tpu.memref_slice %arg8[%mul3A_10, %dma_wait3A_19] : memref<10112x128xf32, #tpu.memory_space<vmem_shared>> -> memref<632x128xf32, #tpu.memory_space<vmem_shared>>
      tpu.wait_dma2 semaphore(%run_scoped3A : memref<!tpu.dma_semaphore, #tpu.memory_space<semaphore_mem>>) src(%dma_wait3A_20 : memref<632x128xf32, #tpu.memory_space<vmem_shared>>) dst(%dma_wait3A_18 : memref<632x128xf32, #tpu.memory_space<hbm>>)
      tpu.yield
    }) : () -> ()
    return
  }
}

#map = affine_map<(d0, d1) -> (0, 0)>
#map1 = affine_map<(d0, d1) -> (0, 0, 0)>
module attributes {stable_mosaic.version = 14 : i64} {
  func.func @_sc_scatter_body(%arg0: i32, %arg1: i32, %arg2: memref<10112x128xf32, #tpu.memory_space<hbm>>, %arg3: memref<32x79x128xi32, #tpu.memory_space<hbm>>, %arg4: memref<32x79x128xi32, #tpu.memory_space<hbm>>, %arg5: memref<632x128xf32, #tpu.memory_space<hbm>>, %arg6: memref<2x10112x128xf32, #tpu.memory_space<hbm>>, %arg7: memref<79x128xi32, #tpu.memory_space<vmem>>, %arg8: memref<79x128xi32, #tpu.memory_space<vmem>>, %arg9: memref<128x128xf32, #tpu.memory_space<vmem>>, %arg10: memref<!tpu.dma_semaphore, #tpu.memory_space<semaphore_mem>>, %arg11: memref<10112x128xf32, #tpu.memory_space<vmem_shared>>) attributes {dimension_semantics = [#tpu.dimension_semantics<core_parallel>, #tpu.dimension_semantics<subcore_parallel>], iteration_bounds = array<i64: 2, 16>, scalar_prefetch = 0 : i64, scratch_operands = 5 : i64, tpu.core_type = #tpu.core_type<sc_vector_subcore>, window_params = [{transform_indices = #map}, {transform_indices = #map1}, {transform_indices = #map1}, {transform_indices = #map}, {transform_indices = #map1}]} {
    %mul3A = arith.constant 16 : i32
    %mul3A_0 = arith.muli %arg0, %mul3A : i32
    %add3A = arith.addi %mul3A_0, %arg1 : i32
    %mul3A_1 = arith.constant 632 : i32
    %mul3A_2 = arith.muli %arg1, %mul3A_1 : i32
    "tpu.region"() ({
      %run_scoped3A = tpu.sem_alloc : memref<!tpu.dma_semaphore, #tpu.memory_space<semaphore_mem>>
      %dma_start3A = arith.constant 0 : i32
      %dma_start3A_13 = tpu.memref_slice %arg11[%mul3A_2, %dma_start3A] : memref<10112x128xf32, #tpu.memory_space<vmem_shared>> -> memref<632x128xf32, #tpu.memory_space<vmem_shared>>
      tpu.enqueue_dma source(%arg5 : memref<632x128xf32, #tpu.memory_space<hbm>>) target(%dma_start3A_13 : memref<632x128xf32, #tpu.memory_space<vmem_shared>>) target_semaphore(%run_scoped3A : memref<!tpu.dma_semaphore, #tpu.memory_space<semaphore_mem>>)
      %dma_wait3A = arith.constant 0 : i32
      %dma_wait3A_14 = tpu.memref_slice %arg11[%mul3A_2, %dma_wait3A] : memref<10112x128xf32, #tpu.memory_space<vmem_shared>> -> memref<632x128xf32, #tpu.memory_space<vmem_shared>>
      tpu.wait_dma2 semaphore(%run_scoped3A : memref<!tpu.dma_semaphore, #tpu.memory_space<semaphore_mem>>) src(%arg5 : memref<632x128xf32, #tpu.memory_space<hbm>>) dst(%dma_wait3A_14 : memref<632x128xf32, #tpu.memory_space<vmem_shared>>)
      tpu.yield
    }) : () -> ()
    "tpu.region"() ({
      %run_scoped3A = tpu.sem_alloc : memref<!tpu.dma_semaphore, #tpu.memory_space<semaphore_mem>>
      %dma_start3A = arith.constant 0 : i32
      %dma_start3A_13 = arith.constant 0 : i32
      %dma_start3A_14 = tpu.memref_slice %arg3[%add3A, %dma_start3A, %dma_start3A_13] : memref<32x79x128xi32, #tpu.memory_space<hbm>> -> memref<1x79x128xi32, #tpu.memory_space<hbm>>
      %dma_start3A_15 = tpu.memref_squeeze %dma_start3A_14 : memref<1x79x128xi32, #tpu.memory_space<hbm>> -> memref<79x128xi32, #tpu.memory_space<hbm>>
      %dma_start3A_16 = arith.constant 0 : i32
      %dma_start3A_17 = arith.constant 0 : i32
      %dma_start3A_18 = tpu.memref_slice %arg3[%add3A, %dma_start3A_16, %dma_start3A_17] : memref<32x79x128xi32, #tpu.memory_space<hbm>> -> memref<1x79x128xi32, #tpu.memory_space<hbm>>
      %dma_start3A_19 = tpu.memref_squeeze %dma_start3A_18 : memref<1x79x128xi32, #tpu.memory_space<hbm>> -> memref<79x128xi32, #tpu.memory_space<hbm>>
      tpu.enqueue_dma source(%dma_start3A_19 : memref<79x128xi32, #tpu.memory_space<hbm>>) target(%arg7 : memref<79x128xi32, #tpu.memory_space<vmem>>) target_semaphore(%run_scoped3A : memref<!tpu.dma_semaphore, #tpu.memory_space<semaphore_mem>>)
      %dma_wait3A = arith.constant 0 : i32
      %dma_wait3A_20 = arith.constant 0 : i32
      %dma_wait3A_21 = tpu.memref_slice %arg3[%add3A, %dma_wait3A, %dma_wait3A_20] : memref<32x79x128xi32, #tpu.memory_space<hbm>> -> memref<1x79x128xi32, #tpu.memory_space<hbm>>
      %dma_wait3A_22 = tpu.memref_squeeze %dma_wait3A_21 : memref<1x79x128xi32, #tpu.memory_space<hbm>> -> memref<79x128xi32, #tpu.memory_space<hbm>>
      %dma_wait3A_23 = arith.constant 0 : i32
      %dma_wait3A_24 = arith.constant 0 : i32
      %dma_wait3A_25 = tpu.memref_slice %arg3[%add3A, %dma_wait3A_23, %dma_wait3A_24] : memref<32x79x128xi32, #tpu.memory_space<hbm>> -> memref<1x79x128xi32, #tpu.memory_space<hbm>>
      %dma_wait3A_26 = tpu.memref_squeeze %dma_wait3A_25 : memref<1x79x128xi32, #tpu.memory_space<hbm>> -> memref<79x128xi32, #tpu.memory_space<hbm>>
      tpu.wait_dma2 semaphore(%run_scoped3A : memref<!tpu.dma_semaphore, #tpu.memory_space<semaphore_mem>>) src(%dma_wait3A_26 : memref<79x128xi32, #tpu.memory_space<hbm>>) dst(%arg7 : memref<79x128xi32, #tpu.memory_space<vmem>>)
      tpu.yield
    }) : () -> ()
    "tpu.region"() ({
      %run_scoped3A = tpu.sem_alloc : memref<!tpu.dma_semaphore, #tpu.memory_space<semaphore_mem>>
      %dma_start3A = arith.constant 0 : i32
      %dma_start3A_13 = arith.constant 0 : i32
      %dma_start3A_14 = tpu.memref_slice %arg4[%add3A, %dma_start3A, %dma_start3A_13] : memref<32x79x128xi32, #tpu.memory_space<hbm>> -> memref<1x79x128xi32, #tpu.memory_space<hbm>>
      %dma_start3A_15 = tpu.memref_squeeze %dma_start3A_14 : memref<1x79x128xi32, #tpu.memory_space<hbm>> -> memref<79x128xi32, #tpu.memory_space<hbm>>
      %dma_start3A_16 = arith.constant 0 : i32
      %dma_start3A_17 = arith.constant 0 : i32
      %dma_start3A_18 = tpu.memref_slice %arg4[%add3A, %dma_start3A_16, %dma_start3A_17] : memref<32x79x128xi32, #tpu.memory_space<hbm>> -> memref<1x79x128xi32, #tpu.memory_space<hbm>>
      %dma_start3A_19 = tpu.memref_squeeze %dma_start3A_18 : memref<1x79x128xi32, #tpu.memory_space<hbm>> -> memref<79x128xi32, #tpu.memory_space<hbm>>
      tpu.enqueue_dma source(%dma_start3A_19 : memref<79x128xi32, #tpu.memory_space<hbm>>) target(%arg8 : memref<79x128xi32, #tpu.memory_space<vmem>>) target_semaphore(%run_scoped3A : memref<!tpu.dma_semaphore, #tpu.memory_space<semaphore_mem>>)
      %dma_wait3A = arith.constant 0 : i32
      %dma_wait3A_20 = arith.constant 0 : i32
      %dma_wait3A_21 = tpu.memref_slice %arg4[%add3A, %dma_wait3A, %dma_wait3A_20] : memref<32x79x128xi32, #tpu.memory_space<hbm>> -> memref<1x79x128xi32, #tpu.memory_space<hbm>>
      %dma_wait3A_22 = tpu.memref_squeeze %dma_wait3A_21 : memref<1x79x128xi32, #tpu.memory_space<hbm>> -> memref<79x128xi32, #tpu.memory_space<hbm>>
      %dma_wait3A_23 = arith.constant 0 : i32
      %dma_wait3A_24 = arith.constant 0 : i32
      %dma_wait3A_25 = tpu.memref_slice %arg4[%add3A, %dma_wait3A_23, %dma_wait3A_24] : memref<32x79x128xi32, #tpu.memory_space<hbm>> -> memref<1x79x128xi32, #tpu.memory_space<hbm>>
      %dma_wait3A_26 = tpu.memref_squeeze %dma_wait3A_25 : memref<1x79x128xi32, #tpu.memory_space<hbm>> -> memref<79x128xi32, #tpu.memory_space<hbm>>
      tpu.wait_dma2 semaphore(%run_scoped3A : memref<!tpu.dma_semaphore, #tpu.memory_space<semaphore_mem>>) src(%dma_wait3A_26 : memref<79x128xi32, #tpu.memory_space<hbm>>) dst(%arg8 : memref<79x128xi32, #tpu.memory_space<vmem>>)
      tpu.yield
    }) : () -> ()
    %barrier3A = arith.constant 0 : index
    tpu.barrier barrier_id(%barrier3A)
    %scan3A = arith.constant 0 : i32
    %scan3A_3 = arith.constant 0 : i32
    %scan3A_4 = arith.constant 79 : i32
    %scan3A_5 = arith.addi %scan3A_3, %scan3A_4 : i32
    %scan3A_6 = arith.constant 1 : i32
    scf.for %scan3A_13 = %scan3A_3 to %scan3A_5 step %scan3A_6  : i32 {
      %dma_start3A = arith.constant 0 : i32
      %dma_start3A_14 = tpu.memref_slice %arg7[%scan3A_13, %dma_start3A] : memref<79x128xi32, #tpu.memory_space<vmem>> -> memref<1x128xi32, #tpu.memory_space<vmem>>
      %dma_start3A_15 = tpu.memref_squeeze %dma_start3A_14 : memref<1x128xi32, #tpu.memory_space<vmem>> -> memref<128xi32, #tpu.memory_space<vmem>>
      %dma_start3A_16 = arith.constant 0 : i32
      %dma_start3A_17 = arith.constant 0 : i32
      %dma_start3A_18 = tpu.memref_slice %arg2[%dma_start3A_16, %dma_start3A_17] : memref<10112x128xf32, #tpu.memory_space<hbm>> -> memref<10112x128xf32, #tpu.memory_space<hbm>>
      tpu.enqueue_indirect_dma source(%dma_start3A_18 : memref<10112x128xf32, #tpu.memory_space<hbm>>) target(%arg9 : memref<128x128xf32, #tpu.memory_space<vmem>>) offsets(%dma_start3A_15 : memref<128xi32, #tpu.memory_space<vmem>>) semaphore(%arg10 : memref<!tpu.dma_semaphore, #tpu.memory_space<semaphore_mem>>)
      %dma_wait3A = arith.constant 0 : i32
      %dma_wait3A_19 = tpu.memref_slice %arg7[%scan3A_13, %dma_wait3A] : memref<79x128xi32, #tpu.memory_space<vmem>> -> memref<1x128xi32, #tpu.memory_space<vmem>>
      %dma_wait3A_20 = tpu.memref_squeeze %dma_wait3A_19 : memref<1x128xi32, #tpu.memory_space<vmem>> -> memref<128xi32, #tpu.memory_space<vmem>>
      %dma_wait3A_21 = arith.constant 0 : i32
      %dma_wait3A_22 = arith.constant 0 : i32
      %dma_wait3A_23 = tpu.memref_slice %arg2[%dma_wait3A_21, %dma_wait3A_22] : memref<10112x128xf32, #tpu.memory_space<hbm>> -> memref<10112x128xf32, #tpu.memory_space<hbm>>
      tpu.wait_indirect_dma semaphore(%arg10 : memref<!tpu.dma_semaphore, #tpu.memory_space<semaphore_mem>>) src(%dma_wait3A_23 : memref<10112x128xf32, #tpu.memory_space<hbm>>) dst(%arg9 : memref<128x128xf32, #tpu.memory_space<vmem>>)
      "tpu.region"() ({
        %run_scoped3A = tpu.sem_alloc : memref<!tpu.dma_semaphore, #tpu.memory_space<semaphore_mem>>
        %dma_start3A_24 = arith.constant 0 : i32
        %dma_start3A_25 = tpu.memref_slice %arg8[%scan3A_13, %dma_start3A_24] : memref<79x128xi32, #tpu.memory_space<vmem>> -> memref<1x128xi32, #tpu.memory_space<vmem>>
        %dma_start3A_26 = tpu.memref_squeeze %dma_start3A_25 : memref<1x128xi32, #tpu.memory_space<vmem>> -> memref<128xi32, #tpu.memory_space<vmem>>
        %dma_start3A_27 = arith.constant 0 : i32
        %dma_start3A_28 = arith.constant 0 : i32
        %dma_start3A_29 = tpu.memref_slice %arg11[%dma_start3A_27, %dma_start3A_28] : memref<10112x128xf32, #tpu.memory_space<vmem_shared>> -> memref<10112x128xf32, #tpu.memory_space<vmem_shared>>
        tpu.enqueue_indirect_dma source(%arg9 : memref<128x128xf32, #tpu.memory_space<vmem>>) target(%dma_start3A_29 : memref<10112x128xf32, #tpu.memory_space<vmem_shared>>) offsets(%dma_start3A_26 : memref<128xi32, #tpu.memory_space<vmem>>) semaphore(%run_scoped3A : memref<!tpu.dma_semaphore, #tpu.memory_space<semaphore_mem>>) {add = true}
        %dma_wait3A_30 = arith.constant 0 : i32
        %dma_wait3A_31 = tpu.memref_slice %arg8[%scan3A_13, %dma_wait3A_30] : memref<79x128xi32, #tpu.memory_space<vmem>> -> memref<1x128xi32, #tpu.memory_space<vmem>>
        %dma_wait3A_32 = tpu.memref_squeeze %dma_wait3A_31 : memref<1x128xi32, #tpu.memory_space<vmem>> -> memref<128xi32, #tpu.memory_space<vmem>>
        %dma_wait3A_33 = arith.constant 0 : i32
        %dma_wait3A_34 = arith.constant 0 : i32
        %dma_wait3A_35 = tpu.memref_slice %arg11[%dma_wait3A_33, %dma_wait3A_34] : memref<10112x128xf32, #tpu.memory_space<vmem_shared>> -> memref<10112x128xf32, #tpu.memory_space<vmem_shared>>
        tpu.wait_indirect_dma semaphore(%run_scoped3A : memref<!tpu.dma_semaphore, #tpu.memory_space<semaphore_mem>>) src(%arg9 : memref<128x128xf32, #tpu.memory_space<vmem>>) dst(%dma_wait3A_35 : memref<10112x128xf32, #tpu.memory_space<vmem_shared>>)
        tpu.yield
      }) : () -> ()
    }
    %scan3A_7 = arith.constant 79 : i32
    %barrier3A_8 = arith.constant 0 : index
    tpu.barrier barrier_id(%barrier3A_8)
    %mul3A_9 = arith.constant 632 : i32
    %mul3A_10 = arith.muli %arg1, %mul3A_9 : i32
    %mul3A_11 = arith.constant 632 : i32
    %mul3A_12 = arith.muli %arg1, %mul3A_11 : i32
    "tpu.region"() ({
      %run_scoped3A = tpu.sem_alloc : memref<!tpu.dma_semaphore, #tpu.memory_space<semaphore_mem>>
      %dma_start3A = arith.constant 0 : i32
      %dma_start3A_13 = tpu.memref_slice %arg6[%arg0, %mul3A_12, %dma_start3A] : memref<2x10112x128xf32, #tpu.memory_space<hbm>> -> memref<1x632x128xf32, #tpu.memory_space<hbm>>
      %dma_start3A_14 = tpu.memref_squeeze %dma_start3A_13 : memref<1x632x128xf32, #tpu.memory_space<hbm>> -> memref<632x128xf32, #tpu.memory_space<hbm>>
      %dma_start3A_15 = arith.constant 0 : i32
      %dma_start3A_16 = tpu.memref_slice %arg11[%mul3A_10, %dma_start3A_15] : memref<10112x128xf32, #tpu.memory_space<vmem_shared>> -> memref<632x128xf32, #tpu.memory_space<vmem_shared>>
      tpu.enqueue_dma source(%dma_start3A_16 : memref<632x128xf32, #tpu.memory_space<vmem_shared>>) target(%dma_start3A_14 : memref<632x128xf32, #tpu.memory_space<hbm>>) target_semaphore(%run_scoped3A : memref<!tpu.dma_semaphore, #tpu.memory_space<semaphore_mem>>)
      %dma_wait3A = arith.constant 0 : i32
      %dma_wait3A_17 = tpu.memref_slice %arg6[%arg0, %mul3A_12, %dma_wait3A] : memref<2x10112x128xf32, #tpu.memory_space<hbm>> -> memref<1x632x128xf32, #tpu.memory_space<hbm>>
      %dma_wait3A_18 = tpu.memref_squeeze %dma_wait3A_17 : memref<1x632x128xf32, #tpu.memory_space<hbm>> -> memref<632x128xf32, #tpu.memory_space<hbm>>
      %dma_wait3A_19 = arith.constant 0 : i32
      %dma_wait3A_20 = tpu.memref_slice %arg11[%mul3A_10, %dma_wait3A_19] : memref<10112x128xf32, #tpu.memory_space<vmem_shared>> -> memref<632x128xf32, #tpu.memory_space<vmem_shared>>
      tpu.wait_dma2 semaphore(%run_scoped3A : memref<!tpu.dma_semaphore, #tpu.memory_space<semaphore_mem>>) src(%dma_wait3A_20 : memref<632x128xf32, #tpu.memory_space<vmem_shared>>) dst(%dma_wait3A_18 : memref<632x128xf32, #tpu.memory_space<hbm>>)
      tpu.yield
    }) : () -> ()
    return
  }
}

#map = affine_map<(d0, d1) -> (0, 0)>
#map1 = affine_map<(d0, d1) -> (0, 0, 0)>
module attributes {stable_mosaic.version = 14 : i64} {
  func.func @_sc_edge_body(%arg0: i32, %arg1: i32, %arg2: memref<10112x128xf32, #tpu.memory_space<hbm>>, %arg3: memref<32x79x128xi32, #tpu.memory_space<hbm>>, %arg4: memref<32x79x128xi32, #tpu.memory_space<hbm>>, %arg5: memref<32x10112x128xf32, #tpu.memory_space<hbm>>, %arg6: memref<79x128xi32, #tpu.memory_space<vmem>>, %arg7: memref<79x128xi32, #tpu.memory_space<vmem>>, %arg8: memref<128x128xf32, #tpu.memory_space<vmem>>, %arg9: memref<128x128xf32, #tpu.memory_space<vmem>>, %arg10: memref<128x128xf32, #tpu.memory_space<vmem>>, %arg11: memref<128x128xf32, #tpu.memory_space<vmem>>, %arg12: memref<!tpu.dma_semaphore, #tpu.memory_space<semaphore_mem>>, %arg13: memref<!tpu.dma_semaphore, #tpu.memory_space<semaphore_mem>>, %arg14: memref<!tpu.dma_semaphore, #tpu.memory_space<semaphore_mem>>, %arg15: memref<!tpu.dma_semaphore, #tpu.memory_space<semaphore_mem>>) attributes {dimension_semantics = [#tpu.dimension_semantics<core_parallel>, #tpu.dimension_semantics<subcore_parallel>], iteration_bounds = array<i64: 2, 16>, scalar_prefetch = 0 : i64, scratch_operands = 10 : i64, tpu.core_type = #tpu.core_type<sc_vector_subcore>, window_params = [{transform_indices = #map}, {transform_indices = #map1}, {transform_indices = #map1}, {transform_indices = #map1}]} {
    %mul3A = arith.constant 16 : i32
    %mul3A_0 = arith.muli %arg0, %mul3A : i32
    %add3A = arith.addi %mul3A_0, %arg1 : i32
    "tpu.region"() ({
      %run_scoped3A = tpu.sem_alloc : memref<!tpu.dma_semaphore, #tpu.memory_space<semaphore_mem>>
      %dma_start3A_19 = arith.constant 0 : i32
      %dma_start3A_20 = arith.constant 0 : i32
      %dma_start3A_21 = tpu.memref_slice %arg3[%add3A, %dma_start3A_19, %dma_start3A_20] : memref<32x79x128xi32, #tpu.memory_space<hbm>> -> memref<1x79x128xi32, #tpu.memory_space<hbm>>
      %dma_start3A_22 = tpu.memref_squeeze %dma_start3A_21 : memref<1x79x128xi32, #tpu.memory_space<hbm>> -> memref<79x128xi32, #tpu.memory_space<hbm>>
      %dma_start3A_23 = arith.constant 0 : i32
      %dma_start3A_24 = arith.constant 0 : i32
      %dma_start3A_25 = tpu.memref_slice %arg3[%add3A, %dma_start3A_23, %dma_start3A_24] : memref<32x79x128xi32, #tpu.memory_space<hbm>> -> memref<1x79x128xi32, #tpu.memory_space<hbm>>
      %dma_start3A_26 = tpu.memref_squeeze %dma_start3A_25 : memref<1x79x128xi32, #tpu.memory_space<hbm>> -> memref<79x128xi32, #tpu.memory_space<hbm>>
      tpu.enqueue_dma source(%dma_start3A_26 : memref<79x128xi32, #tpu.memory_space<hbm>>) target(%arg6 : memref<79x128xi32, #tpu.memory_space<vmem>>) target_semaphore(%run_scoped3A : memref<!tpu.dma_semaphore, #tpu.memory_space<semaphore_mem>>)
      %dma_wait3A = arith.constant 0 : i32
      %dma_wait3A_27 = arith.constant 0 : i32
      %dma_wait3A_28 = tpu.memref_slice %arg3[%add3A, %dma_wait3A, %dma_wait3A_27] : memref<32x79x128xi32, #tpu.memory_space<hbm>> -> memref<1x79x128xi32, #tpu.memory_space<hbm>>
      %dma_wait3A_29 = tpu.memref_squeeze %dma_wait3A_28 : memref<1x79x128xi32, #tpu.memory_space<hbm>> -> memref<79x128xi32, #tpu.memory_space<hbm>>
      %dma_wait3A_30 = arith.constant 0 : i32
      %dma_wait3A_31 = arith.constant 0 : i32
      %dma_wait3A_32 = tpu.memref_slice %arg3[%add3A, %dma_wait3A_30, %dma_wait3A_31] : memref<32x79x128xi32, #tpu.memory_space<hbm>> -> memref<1x79x128xi32, #tpu.memory_space<hbm>>
      %dma_wait3A_33 = tpu.memref_squeeze %dma_wait3A_32 : memref<1x79x128xi32, #tpu.memory_space<hbm>> -> memref<79x128xi32, #tpu.memory_space<hbm>>
      tpu.wait_dma2 semaphore(%run_scoped3A : memref<!tpu.dma_semaphore, #tpu.memory_space<semaphore_mem>>) src(%dma_wait3A_33 : memref<79x128xi32, #tpu.memory_space<hbm>>) dst(%arg6 : memref<79x128xi32, #tpu.memory_space<vmem>>)
      tpu.yield
    }) : () -> ()
    "tpu.region"() ({
      %run_scoped3A = tpu.sem_alloc : memref<!tpu.dma_semaphore, #tpu.memory_space<semaphore_mem>>
      %dma_start3A_19 = arith.constant 0 : i32
      %dma_start3A_20 = arith.constant 0 : i32
      %dma_start3A_21 = tpu.memref_slice %arg4[%add3A, %dma_start3A_19, %dma_start3A_20] : memref<32x79x128xi32, #tpu.memory_space<hbm>> -> memref<1x79x128xi32, #tpu.memory_space<hbm>>
      %dma_start3A_22 = tpu.memref_squeeze %dma_start3A_21 : memref<1x79x128xi32, #tpu.memory_space<hbm>> -> memref<79x128xi32, #tpu.memory_space<hbm>>
      %dma_start3A_23 = arith.constant 0 : i32
      %dma_start3A_24 = arith.constant 0 : i32
      %dma_start3A_25 = tpu.memref_slice %arg4[%add3A, %dma_start3A_23, %dma_start3A_24] : memref<32x79x128xi32, #tpu.memory_space<hbm>> -> memref<1x79x128xi32, #tpu.memory_space<hbm>>
      %dma_start3A_26 = tpu.memref_squeeze %dma_start3A_25 : memref<1x79x128xi32, #tpu.memory_space<hbm>> -> memref<79x128xi32, #tpu.memory_space<hbm>>
      tpu.enqueue_dma source(%dma_start3A_26 : memref<79x128xi32, #tpu.memory_space<hbm>>) target(%arg7 : memref<79x128xi32, #tpu.memory_space<vmem>>) target_semaphore(%run_scoped3A : memref<!tpu.dma_semaphore, #tpu.memory_space<semaphore_mem>>)
      %dma_wait3A = arith.constant 0 : i32
      %dma_wait3A_27 = arith.constant 0 : i32
      %dma_wait3A_28 = tpu.memref_slice %arg4[%add3A, %dma_wait3A, %dma_wait3A_27] : memref<32x79x128xi32, #tpu.memory_space<hbm>> -> memref<1x79x128xi32, #tpu.memory_space<hbm>>
      %dma_wait3A_29 = tpu.memref_squeeze %dma_wait3A_28 : memref<1x79x128xi32, #tpu.memory_space<hbm>> -> memref<79x128xi32, #tpu.memory_space<hbm>>
      %dma_wait3A_30 = arith.constant 0 : i32
      %dma_wait3A_31 = arith.constant 0 : i32
      %dma_wait3A_32 = tpu.memref_slice %arg4[%add3A, %dma_wait3A_30, %dma_wait3A_31] : memref<32x79x128xi32, #tpu.memory_space<hbm>> -> memref<1x79x128xi32, #tpu.memory_space<hbm>>
      %dma_wait3A_33 = tpu.memref_squeeze %dma_wait3A_32 : memref<1x79x128xi32, #tpu.memory_space<hbm>> -> memref<79x128xi32, #tpu.memory_space<hbm>>
      tpu.wait_dma2 semaphore(%run_scoped3A : memref<!tpu.dma_semaphore, #tpu.memory_space<semaphore_mem>>) src(%dma_wait3A_33 : memref<79x128xi32, #tpu.memory_space<hbm>>) dst(%arg7 : memref<79x128xi32, #tpu.memory_space<vmem>>)
      tpu.yield
    }) : () -> ()
    %dma_start3A = arith.constant 0 : i32
    %dma_start3A_1 = arith.constant 0 : i32
    %dma_start3A_2 = tpu.memref_slice %arg6[%dma_start3A, %dma_start3A_1] : memref<79x128xi32, #tpu.memory_space<vmem>> -> memref<1x128xi32, #tpu.memory_space<vmem>>
    %dma_start3A_3 = tpu.memref_squeeze %dma_start3A_2 : memref<1x128xi32, #tpu.memory_space<vmem>> -> memref<128xi32, #tpu.memory_space<vmem>>
    %dma_start3A_4 = arith.constant 0 : i32
    %dma_start3A_5 = arith.constant 0 : i32
    %dma_start3A_6 = tpu.memref_slice %arg2[%dma_start3A_4, %dma_start3A_5] : memref<10112x128xf32, #tpu.memory_space<hbm>> -> memref<10112x128xf32, #tpu.memory_space<hbm>>
    tpu.enqueue_indirect_dma source(%dma_start3A_6 : memref<10112x128xf32, #tpu.memory_space<hbm>>) target(%arg8 : memref<128x128xf32, #tpu.memory_space<vmem>>) offsets(%dma_start3A_3 : memref<128xi32, #tpu.memory_space<vmem>>) semaphore(%arg12 : memref<!tpu.dma_semaphore, #tpu.memory_space<semaphore_mem>>)
    %dma_start3A_7 = arith.constant 0 : i32
    %dma_start3A_8 = arith.constant 0 : i32
    %dma_start3A_9 = tpu.memref_slice %arg7[%dma_start3A_7, %dma_start3A_8] : memref<79x128xi32, #tpu.memory_space<vmem>> -> memref<1x128xi32, #tpu.memory_space<vmem>>
    %dma_start3A_10 = tpu.memref_squeeze %dma_start3A_9 : memref<1x128xi32, #tpu.memory_space<vmem>> -> memref<128xi32, #tpu.memory_space<vmem>>
    %dma_start3A_11 = arith.constant 0 : i32
    %dma_start3A_12 = arith.constant 0 : i32
    %dma_start3A_13 = tpu.memref_slice %arg2[%dma_start3A_11, %dma_start3A_12] : memref<10112x128xf32, #tpu.memory_space<hbm>> -> memref<10112x128xf32, #tpu.memory_space<hbm>>
    tpu.enqueue_indirect_dma source(%dma_start3A_13 : memref<10112x128xf32, #tpu.memory_space<hbm>>) target(%arg9 : memref<128x128xf32, #tpu.memory_space<vmem>>) offsets(%dma_start3A_10 : memref<128xi32, #tpu.memory_space<vmem>>) semaphore(%arg13 : memref<!tpu.dma_semaphore, #tpu.memory_space<semaphore_mem>>)
    %scan3A = arith.constant 0 : i32
    %scan3A_14 = arith.constant 0 : i32
    %scan3A_15 = arith.constant 40 : i32
    %scan3A_16 = arith.addi %scan3A_14, %scan3A_15 : i32
    %scan3A_17 = arith.constant 1 : i32
    scf.for %scan3A_19 = %scan3A_14 to %scan3A_16 step %scan3A_17  : i32 {
      %mul3A_20 = arith.constant 2 : i32
      %mul3A_21 = arith.muli %mul3A_20, %scan3A_19 : i32
      %add3A_22 = arith.constant 1 : i32
      %add3A_23 = arith.addi %mul3A_21, %add3A_22 : i32
      %lt3A = arith.constant 79 : i32
      %lt3A_24 = arith.cmpi slt, %add3A_23, %lt3A : i32
      %convert_element_type3A = arith.extui %lt3A_24 : i1 to i32
      %cond3A = arith.constant 0 : i32
      %cond3A_25 = arith.cmpi ne, %convert_element_type3A, %cond3A : i32
      scf.if %cond3A_25 {
        %add3A_52 = arith.constant 1 : i32
        %add3A_53 = arith.addi %mul3A_21, %add3A_52 : i32
        %dma_start3A_54 = arith.constant 0 : i32
        %dma_start3A_55 = tpu.memref_slice %arg6[%add3A_53, %dma_start3A_54] : memref<79x128xi32, #tpu.memory_space<vmem>> -> memref<1x128xi32, #tpu.memory_space<vmem>>
        %dma_start3A_56 = tpu.memref_squeeze %dma_start3A_55 : memref<1x128xi32, #tpu.memory_space<vmem>> -> memref<128xi32, #tpu.memory_space<vmem>>
        %dma_start3A_57 = arith.constant 0 : i32
        %dma_start3A_58 = arith.constant 0 : i32
        %dma_start3A_59 = tpu.memref_slice %arg2[%dma_start3A_57, %dma_start3A_58] : memref<10112x128xf32, #tpu.memory_space<hbm>> -> memref<10112x128xf32, #tpu.memory_space<hbm>>
        tpu.enqueue_indirect_dma source(%dma_start3A_59 : memref<10112x128xf32, #tpu.memory_space<hbm>>) target(%arg10 : memref<128x128xf32, #tpu.memory_space<vmem>>) offsets(%dma_start3A_56 : memref<128xi32, #tpu.memory_space<vmem>>) semaphore(%arg14 : memref<!tpu.dma_semaphore, #tpu.memory_space<semaphore_mem>>)
        %add3A_60 = arith.constant 1 : i32
        %add3A_61 = arith.addi %mul3A_21, %add3A_60 : i32
        %dma_start3A_62 = arith.constant 0 : i32
        %dma_start3A_63 = tpu.memref_slice %arg7[%add3A_61, %dma_start3A_62] : memref<79x128xi32, #tpu.memory_space<vmem>> -> memref<1x128xi32, #tpu.memory_space<vmem>>
        %dma_start3A_64 = tpu.memref_squeeze %dma_start3A_63 : memref<1x128xi32, #tpu.memory_space<vmem>> -> memref<128xi32, #tpu.memory_space<vmem>>
        %dma_start3A_65 = arith.constant 0 : i32
        %dma_start3A_66 = arith.constant 0 : i32
        %dma_start3A_67 = tpu.memref_slice %arg2[%dma_start3A_65, %dma_start3A_66] : memref<10112x128xf32, #tpu.memory_space<hbm>> -> memref<10112x128xf32, #tpu.memory_space<hbm>>
        tpu.enqueue_indirect_dma source(%dma_start3A_67 : memref<10112x128xf32, #tpu.memory_space<hbm>>) target(%arg11 : memref<128x128xf32, #tpu.memory_space<vmem>>) offsets(%dma_start3A_64 : memref<128xi32, #tpu.memory_space<vmem>>) semaphore(%arg15 : memref<!tpu.dma_semaphore, #tpu.memory_space<semaphore_mem>>)
      } else {
      }
      %dma_wait3A = arith.constant 0 : i32
      %dma_wait3A_26 = tpu.memref_slice %arg6[%mul3A_21, %dma_wait3A] : memref<79x128xi32, #tpu.memory_space<vmem>> -> memref<1x128xi32, #tpu.memory_space<vmem>>
      %dma_wait3A_27 = tpu.memref_squeeze %dma_wait3A_26 : memref<1x128xi32, #tpu.memory_space<vmem>> -> memref<128xi32, #tpu.memory_space<vmem>>
      %dma_wait3A_28 = arith.constant 0 : i32
      %dma_wait3A_29 = arith.constant 0 : i32
      %dma_wait3A_30 = tpu.memref_slice %arg2[%dma_wait3A_28, %dma_wait3A_29] : memref<10112x128xf32, #tpu.memory_space<hbm>> -> memref<10112x128xf32, #tpu.memory_space<hbm>>
      tpu.wait_indirect_dma semaphore(%arg12 : memref<!tpu.dma_semaphore, #tpu.memory_space<semaphore_mem>>) src(%dma_wait3A_30 : memref<10112x128xf32, #tpu.memory_space<hbm>>) dst(%arg8 : memref<128x128xf32, #tpu.memory_space<vmem>>)
      %dma_wait3A_31 = arith.constant 0 : i32
      %dma_wait3A_32 = tpu.memref_slice %arg7[%mul3A_21, %dma_wait3A_31] : memref<79x128xi32, #tpu.memory_space<vmem>> -> memref<1x128xi32, #tpu.memory_space<vmem>>
      %dma_wait3A_33 = tpu.memref_squeeze %dma_wait3A_32 : memref<1x128xi32, #tpu.memory_space<vmem>> -> memref<128xi32, #tpu.memory_space<vmem>>
      %dma_wait3A_34 = arith.constant 0 : i32
      %dma_wait3A_35 = arith.constant 0 : i32
      %dma_wait3A_36 = tpu.memref_slice %arg2[%dma_wait3A_34, %dma_wait3A_35] : memref<10112x128xf32, #tpu.memory_space<hbm>> -> memref<10112x128xf32, #tpu.memory_space<hbm>>
      tpu.wait_indirect_dma semaphore(%arg13 : memref<!tpu.dma_semaphore, #tpu.memory_space<semaphore_mem>>) src(%dma_wait3A_36 : memref<10112x128xf32, #tpu.memory_space<hbm>>) dst(%arg9 : memref<128x128xf32, #tpu.memory_space<vmem>>)
      %scan3A_37 = arith.constant 0 : i32
      %scan3A_38 = arith.constant 0 : i32
      %scan3A_39 = arith.constant 64 : i32
      %scan3A_40 = arith.addi %scan3A_38, %scan3A_39 : i32
      %scan3A_41 = arith.constant 1 : i32
      scf.for %scan3A_52 = %scan3A_38 to %scan3A_40 step %scan3A_41  : i32 {
        %mul3A_53 = arith.constant 2 : i32
        %mul3A_54 = arith.muli %mul3A_53, %scan3A_52 : i32
        %add3A_55 = arith.constant 0 : i32
        %add3A_56 = arith.addi %mul3A_54, %add3A_55 : i32
        %get3A = arith.index_cast %add3A_56 : i32 to index
        %get3A_57 = arith.constant 0 : index
        %get3A_58 = tpu.vector_load %arg8[%get3A, %get3A_57] {strides = array<i32>} : memref<128x128xf32, #tpu.memory_space<vmem>>, vector<1x16xf32>,
        %get3A_59 = vector.shape_cast %get3A_58 : vector<1x16xf32> to vector<16xf32>
        %get3A_60 = arith.index_cast %add3A_56 : i32 to index
        %get3A_61 = arith.constant 0 : index
        %get3A_62 = tpu.vector_load %arg9[%get3A_60, %get3A_61] {strides = array<i32>} : memref<128x128xf32, #tpu.memory_space<vmem>>, vector<1x16xf32>,
        %get3A_63 = vector.shape_cast %get3A_62 : vector<1x16xf32> to vector<16xf32>
        %add3A_64 = arith.addf %get3A_59, %get3A_63 : vector<16xf32>
        %swap3A = arith.index_cast %add3A_56 : i32 to index
        %swap3A_65 = arith.constant 0 : index
        %swap3A_66 = tpu.vector_load %arg8[%swap3A, %swap3A_65] {strides = array<i32>} : memref<128x128xf32, #tpu.memory_space<vmem>>, vector<1x16xf32>,
        %swap3A_67 = vector.shape_cast %swap3A_66 : vector<1x16xf32> to vector<16xf32>
        %swap3A_68 = vector.shape_cast %add3A_64 : vector<16xf32> to vector<1x16xf32>
        tpu.vector_store %arg8[%swap3A, %swap3A_65], %swap3A_68 {strides = array<i32>} : memref<128x128xf32, #tpu.memory_space<vmem>>, vector<1x16xf32>,
        %get3A_69 = arith.index_cast %add3A_56 : i32 to index
        %get3A_70 = arith.constant 16 : index
        %get3A_71 = tpu.vector_load %arg8[%get3A_69, %get3A_70] {strides = array<i32>} : memref<128x128xf32, #tpu.memory_space<vmem>>, vector<1x16xf32>,
        %get3A_72 = vector.shape_cast %get3A_71 : vector<1x16xf32> to vector<16xf32>
        %get3A_73 = arith.index_cast %add3A_56 : i32 to index
        %get3A_74 = arith.constant 16 : index
        %get3A_75 = tpu.vector_load %arg9[%get3A_73, %get3A_74] {strides = array<i32>} : memref<128x128xf32, #tpu.memory_space<vmem>>, vector<1x16xf32>,
        %get3A_76 = vector.shape_cast %get3A_75 : vector<1x16xf32> to vector<16xf32>
        %add3A_77 = arith.addf %get3A_72, %get3A_76 : vector<16xf32>
        %swap3A_78 = arith.index_cast %add3A_56 : i32 to index
        %swap3A_79 = arith.constant 16 : index
        %swap3A_80 = tpu.vector_load %arg8[%swap3A_78, %swap3A_79] {strides = array<i32>} : memref<128x128xf32, #tpu.memory_space<vmem>>, vector<1x16xf32>,
        %swap3A_81 = vector.shape_cast %swap3A_80 : vector<1x16xf32> to vector<16xf32>
        %swap3A_82 = vector.shape_cast %add3A_77 : vector<16xf32> to vector<1x16xf32>
        tpu.vector_store %arg8[%swap3A_78, %swap3A_79], %swap3A_82 {strides = array<i32>} : memref<128x128xf32, #tpu.memory_space<vmem>>, vector<1x16xf32>,
        %get3A_83 = arith.index_cast %add3A_56 : i32 to index
        %get3A_84 = arith.constant 32 : index
        %get3A_85 = tpu.vector_load %arg8[%get3A_83, %get3A_84] {strides = array<i32>} : memref<128x128xf32, #tpu.memory_space<vmem>>, vector<1x16xf32>,
        %get3A_86 = vector.shape_cast %get3A_85 : vector<1x16xf32> to vector<16xf32>
        %get3A_87 = arith.index_cast %add3A_56 : i32 to index
        %get3A_88 = arith.constant 32 : index
        %get3A_89 = tpu.vector_load %arg9[%get3A_87, %get3A_88] {strides = array<i32>} : memref<128x128xf32, #tpu.memory_space<vmem>>, vector<1x16xf32>,
        %get3A_90 = vector.shape_cast %get3A_89 : vector<1x16xf32> to vector<16xf32>
        %add3A_91 = arith.addf %get3A_86, %get3A_90 : vector<16xf32>
        %swap3A_92 = arith.index_cast %add3A_56 : i32 to index
        %swap3A_93 = arith.constant 32 : index
        %swap3A_94 = tpu.vector_load %arg8[%swap3A_92, %swap3A_93] {strides = array<i32>} : memref<128x128xf32, #tpu.memory_space<vmem>>, vector<1x16xf32>,
        %swap3A_95 = vector.shape_cast %swap3A_94 : vector<1x16xf32> to vector<16xf32>
        %swap3A_96 = vector.shape_cast %add3A_91 : vector<16xf32> to vector<1x16xf32>
        tpu.vector_store %arg8[%swap3A_92, %swap3A_93], %swap3A_96 {strides = array<i32>} : memref<128x128xf32, #tpu.memory_space<vmem>>, vector<1x16xf32>,
        %get3A_97 = arith.index_cast %add3A_56 : i32 to index
        %get3A_98 = arith.constant 48 : index
        %get3A_99 = tpu.vector_load %arg8[%get3A_97, %get3A_98] {strides = array<i32>} : memref<128x128xf32, #tpu.memory_space<vmem>>, vector<1x16xf32>,
        %get3A_100 = vector.shape_cast %get3A_99 : vector<1x16xf32> to vector<16xf32>
        %get3A_101 = arith.index_cast %add3A_56 : i32 to index
        %get3A_102 = arith.constant 48 : index
        %get3A_103 = tpu.vector_load %arg9[%get3A_101, %get3A_102] {strides = array<i32>} : memref<128x128xf32, #tpu.memory_space<vmem>>, vector<1x16xf32>,
        %get3A_104 = vector.shape_cast %get3A_103 : vector<1x16xf32> to vector<16xf32>
        %add3A_105 = arith.addf %get3A_100, %get3A_104 : vector<16xf32>
        %swap3A_106 = arith.index_cast %add3A_56 : i32 to index
        %swap3A_107 = arith.constant 48 : index
        %swap3A_108 = tpu.vector_load %arg8[%swap3A_106, %swap3A_107] {strides = array<i32>} : memref<128x128xf32, #tpu.memory_space<vmem>>, vector<1x16xf32>,
        %swap3A_109 = vector.shape_cast %swap3A_108 : vector<1x16xf32> to vector<16xf32>
        %swap3A_110 = vector.shape_cast %add3A_105 : vector<16xf32> to vector<1x16xf32>
        tpu.vector_store %arg8[%swap3A_106, %swap3A_107], %swap3A_110 {strides = array<i32>} : memref<128x128xf32, #tpu.memory_space<vmem>>, vector<1x16xf32>,
        %get3A_111 = arith.index_cast %add3A_56 : i32 to index
        %get3A_112 = arith.constant 64 : index
        %get3A_113 = tpu.vector_load %arg8[%get3A_111, %get3A_112] {strides = array<i32>} : memref<128x128xf32, #tpu.memory_space<vmem>>, vector<1x16xf32>,
        %get3A_114 = vector.shape_cast %get3A_113 : vector<1x16xf32> to vector<16xf32>
        %get3A_115 = arith.index_cast %add3A_56 : i32 to index
        %get3A_116 = arith.constant 64 : index
        %get3A_117 = tpu.vector_load %arg9[%get3A_115, %get3A_116] {strides = array<i32>} : memref<128x128xf32, #tpu.memory_space<vmem>>, vector<1x16xf32>,
        %get3A_118 = vector.shape_cast %get3A_117 : vector<1x16xf32> to vector<16xf32>
        %add3A_119 = arith.addf %get3A_114, %get3A_118 : vector<16xf32>
        %swap3A_120 = arith.index_cast %add3A_56 : i32 to index
        %swap3A_121 = arith.constant 64 : index
        %swap3A_122 = tpu.vector_load %arg8[%swap3A_120, %swap3A_121] {strides = array<i32>} : memref<128x128xf32, #tpu.memory_space<vmem>>, vector<1x16xf32>,
        %swap3A_123 = vector.shape_cast %swap3A_122 : vector<1x16xf32> to vector<16xf32>
        %swap3A_124 = vector.shape_cast %add3A_119 : vector<16xf32> to vector<1x16xf32>
        tpu.vector_store %arg8[%swap3A_120, %swap3A_121], %swap3A_124 {strides = array<i32>} : memref<128x128xf32, #tpu.memory_space<vmem>>, vector<1x16xf32>,
        %get3A_125 = arith.index_cast %add3A_56 : i32 to index
        %get3A_126 = arith.constant 80 : index
        %get3A_127 = tpu.vector_load %arg8[%get3A_125, %get3A_126] {strides = array<i32>} : memref<128x128xf32, #tpu.memory_space<vmem>>, vector<1x16xf32>,
        %get3A_128 = vector.shape_cast %get3A_127 : vector<1x16xf32> to vector<16xf32>
        %get3A_129 = arith.index_cast %add3A_56 : i32 to index
        %get3A_130 = arith.constant 80 : index
        %get3A_131 = tpu.vector_load %arg9[%get3A_129, %get3A_130] {strides = array<i32>} : memref<128x128xf32, #tpu.memory_space<vmem>>, vector<1x16xf32>,
        %get3A_132 = vector.shape_cast %get3A_131 : vector<1x16xf32> to vector<16xf32>
        %add3A_133 = arith.addf %get3A_128, %get3A_132 : vector<16xf32>
        %swap3A_134 = arith.index_cast %add3A_56 : i32 to index
        %swap3A_135 = arith.constant 80 : index
        %swap3A_136 = tpu.vector_load %arg8[%swap3A_134, %swap3A_135] {strides = array<i32>} : memref<128x128xf32, #tpu.memory_space<vmem>>, vector<1x16xf32>,
        %swap3A_137 = vector.shape_cast %swap3A_136 : vector<1x16xf32> to vector<16xf32>
        %swap3A_138 = vector.shape_cast %add3A_133 : vector<16xf32> to vector<1x16xf32>
        tpu.vector_store %arg8[%swap3A_134, %swap3A_135], %swap3A_138 {strides = array<i32>} : memref<128x128xf32, #tpu.memory_space<vmem>>, vector<1x16xf32>,
        %get3A_139 = arith.index_cast %add3A_56 : i32 to index
        %get3A_140 = arith.constant 96 : index
        %get3A_141 = tpu.vector_load %arg8[%get3A_139, %get3A_140] {strides = array<i32>} : memref<128x128xf32, #tpu.memory_space<vmem>>, vector<1x16xf32>,
        %get3A_142 = vector.shape_cast %get3A_141 : vector<1x16xf32> to vector<16xf32>
        %get3A_143 = arith.index_cast %add3A_56 : i32 to index
        %get3A_144 = arith.constant 96 : index
        %get3A_145 = tpu.vector_load %arg9[%get3A_143, %get3A_144] {strides = array<i32>} : memref<128x128xf32, #tpu.memory_space<vmem>>, vector<1x16xf32>,
        %get3A_146 = vector.shape_cast %get3A_145 : vector<1x16xf32> to vector<16xf32>
        %add3A_147 = arith.addf %get3A_142, %get3A_146 : vector<16xf32>
        %swap3A_148 = arith.index_cast %add3A_56 : i32 to index
        %swap3A_149 = arith.constant 96 : index
        %swap3A_150 = tpu.vector_load %arg8[%swap3A_148, %swap3A_149] {strides = array<i32>} : memref<128x128xf32, #tpu.memory_space<vmem>>, vector<1x16xf32>,
        %swap3A_151 = vector.shape_cast %swap3A_150 : vector<1x16xf32> to vector<16xf32>
        %swap3A_152 = vector.shape_cast %add3A_147 : vector<16xf32> to vector<1x16xf32>
        tpu.vector_store %arg8[%swap3A_148, %swap3A_149], %swap3A_152 {strides = array<i32>} : memref<128x128xf32, #tpu.memory_space<vmem>>, vector<1x16xf32>,
        %get3A_153 = arith.index_cast %add3A_56 : i32 to index
        %get3A_154 = arith.constant 112 : index
        %get3A_155 = tpu.vector_load %arg8[%get3A_153, %get3A_154] {strides = array<i32>} : memref<128x128xf32, #tpu.memory_space<vmem>>, vector<1x16xf32>,
        %get3A_156 = vector.shape_cast %get3A_155 : vector<1x16xf32> to vector<16xf32>
        %get3A_157 = arith.index_cast %add3A_56 : i32 to index
        %get3A_158 = arith.constant 112 : index
        %get3A_159 = tpu.vector_load %arg9[%get3A_157, %get3A_158] {strides = array<i32>} : memref<128x128xf32, #tpu.memory_space<vmem>>, vector<1x16xf32>,
        %get3A_160 = vector.shape_cast %get3A_159 : vector<1x16xf32> to vector<16xf32>
        %add3A_161 = arith.addf %get3A_156, %get3A_160 : vector<16xf32>
        %swap3A_162 = arith.index_cast %add3A_56 : i32 to index
        %swap3A_163 = arith.constant 112 : index
        %swap3A_164 = tpu.vector_load %arg8[%swap3A_162, %swap3A_163] {strides = array<i32>} : memref<128x128xf32, #tpu.memory_space<vmem>>, vector<1x16xf32>,
        %swap3A_165 = vector.shape_cast %swap3A_164 : vector<1x16xf32> to vector<16xf32>
        %swap3A_166 = vector.shape_cast %add3A_161 : vector<16xf32> to vector<1x16xf32>
        tpu.vector_store %arg8[%swap3A_162, %swap3A_163], %swap3A_166 {strides = array<i32>} : memref<128x128xf32, #tpu.memory_space<vmem>>, vector<1x16xf32>,
        %mul3A_167 = arith.constant 2 : i32
        %mul3A_168 = arith.muli %mul3A_167, %scan3A_52 : i32
        %add3A_169 = arith.constant 1 : i32
        %add3A_170 = arith.addi %mul3A_168, %add3A_169 : i32
        %get3A_171 = arith.index_cast %add3A_170 : i32 to index
        %get3A_172 = arith.constant 0 : index
        %get3A_173 = tpu.vector_load %arg8[%get3A_171, %get3A_172] {strides = array<i32>} : memref<128x128xf32, #tpu.memory_space<vmem>>, vector<1x16xf32>,
        %get3A_174 = vector.shape_cast %get3A_173 : vector<1x16xf32> to vector<16xf32>
        %get3A_175 = arith.index_cast %add3A_170 : i32 to index
        %get3A_176 = arith.constant 0 : index
        %get3A_177 = tpu.vector_load %arg9[%get3A_175, %get3A_176] {strides = array<i32>} : memref<128x128xf32, #tpu.memory_space<vmem>>, vector<1x16xf32>,
        %get3A_178 = vector.shape_cast %get3A_177 : vector<1x16xf32> to vector<16xf32>
        %add3A_179 = arith.addf %get3A_174, %get3A_178 : vector<16xf32>
        %swap3A_180 = arith.index_cast %add3A_170 : i32 to index
        %swap3A_181 = arith.constant 0 : index
        %swap3A_182 = tpu.vector_load %arg8[%swap3A_180, %swap3A_181] {strides = array<i32>} : memref<128x128xf32, #tpu.memory_space<vmem>>, vector<1x16xf32>,
        %swap3A_183 = vector.shape_cast %swap3A_182 : vector<1x16xf32> to vector<16xf32>
        %swap3A_184 = vector.shape_cast %add3A_179 : vector<16xf32> to vector<1x16xf32>
        tpu.vector_store %arg8[%swap3A_180, %swap3A_181], %swap3A_184 {strides = array<i32>} : memref<128x128xf32, #tpu.memory_space<vmem>>, vector<1x16xf32>,
        %get3A_185 = arith.index_cast %add3A_170 : i32 to index
        %get3A_186 = arith.constant 16 : index
        %get3A_187 = tpu.vector_load %arg8[%get3A_185, %get3A_186] {strides = array<i32>} : memref<128x128xf32, #tpu.memory_space<vmem>>, vector<1x16xf32>,
        %get3A_188 = vector.shape_cast %get3A_187 : vector<1x16xf32> to vector<16xf32>
        %get3A_189 = arith.index_cast %add3A_170 : i32 to index
        %get3A_190 = arith.constant 16 : index
        %get3A_191 = tpu.vector_load %arg9[%get3A_189, %get3A_190] {strides = array<i32>} : memref<128x128xf32, #tpu.memory_space<vmem>>, vector<1x16xf32>,
        %get3A_192 = vector.shape_cast %get3A_191 : vector<1x16xf32> to vector<16xf32>
        %add3A_193 = arith.addf %get3A_188, %get3A_192 : vector<16xf32>
        %swap3A_194 = arith.index_cast %add3A_170 : i32 to index
        %swap3A_195 = arith.constant 16 : index
        %swap3A_196 = tpu.vector_load %arg8[%swap3A_194, %swap3A_195] {strides = array<i32>} : memref<128x128xf32, #tpu.memory_space<vmem>>, vector<1x16xf32>,
        %swap3A_197 = vector.shape_cast %swap3A_196 : vector<1x16xf32> to vector<16xf32>
        %swap3A_198 = vector.shape_cast %add3A_193 : vector<16xf32> to vector<1x16xf32>
        tpu.vector_store %arg8[%swap3A_194, %swap3A_195], %swap3A_198 {strides = array<i32>} : memref<128x128xf32, #tpu.memory_space<vmem>>, vector<1x16xf32>,
        %get3A_199 = arith.index_cast %add3A_170 : i32 to index
        %get3A_200 = arith.constant 32 : index
        %get3A_201 = tpu.vector_load %arg8[%get3A_199, %get3A_200] {strides = array<i32>} : memref<128x128xf32, #tpu.memory_space<vmem>>, vector<1x16xf32>,
        %get3A_202 = vector.shape_cast %get3A_201 : vector<1x16xf32> to vector<16xf32>
        %get3A_203 = arith.index_cast %add3A_170 : i32 to index
        %get3A_204 = arith.constant 32 : index
        %get3A_205 = tpu.vector_load %arg9[%get3A_203, %get3A_204] {strides = array<i32>} : memref<128x128xf32, #tpu.memory_space<vmem>>, vector<1x16xf32>,
        %get3A_206 = vector.shape_cast %get3A_205 : vector<1x16xf32> to vector<16xf32>
        %add3A_207 = arith.addf %get3A_202, %get3A_206 : vector<16xf32>
        %swap3A_208 = arith.index_cast %add3A_170 : i32 to index
        %swap3A_209 = arith.constant 32 : index
        %swap3A_210 = tpu.vector_load %arg8[%swap3A_208, %swap3A_209] {strides = array<i32>} : memref<128x128xf32, #tpu.memory_space<vmem>>, vector<1x16xf32>,
        %swap3A_211 = vector.shape_cast %swap3A_210 : vector<1x16xf32> to vector<16xf32>
        %swap3A_212 = vector.shape_cast %add3A_207 : vector<16xf32> to vector<1x16xf32>
        tpu.vector_store %arg8[%swap3A_208, %swap3A_209], %swap3A_212 {strides = array<i32>} : memref<128x128xf32, #tpu.memory_space<vmem>>, vector<1x16xf32>,
        %get3A_213 = arith.index_cast %add3A_170 : i32 to index
        %get3A_214 = arith.constant 48 : index
        %get3A_215 = tpu.vector_load %arg8[%get3A_213, %get3A_214] {strides = array<i32>} : memref<128x128xf32, #tpu.memory_space<vmem>>, vector<1x16xf32>,
        %get3A_216 = vector.shape_cast %get3A_215 : vector<1x16xf32> to vector<16xf32>
        %get3A_217 = arith.index_cast %add3A_170 : i32 to index
        %get3A_218 = arith.constant 48 : index
        %get3A_219 = tpu.vector_load %arg9[%get3A_217, %get3A_218] {strides = array<i32>} : memref<128x128xf32, #tpu.memory_space<vmem>>, vector<1x16xf32>,
        %get3A_220 = vector.shape_cast %get3A_219 : vector<1x16xf32> to vector<16xf32>
        %add3A_221 = arith.addf %get3A_216, %get3A_220 : vector<16xf32>
        %swap3A_222 = arith.index_cast %add3A_170 : i32 to index
        %swap3A_223 = arith.constant 48 : index
        %swap3A_224 = tpu.vector_load %arg8[%swap3A_222, %swap3A_223] {strides = array<i32>} : memref<128x128xf32, #tpu.memory_space<vmem>>, vector<1x16xf32>,
        %swap3A_225 = vector.shape_cast %swap3A_224 : vector<1x16xf32> to vector<16xf32>
        %swap3A_226 = vector.shape_cast %add3A_221 : vector<16xf32> to vector<1x16xf32>
        tpu.vector_store %arg8[%swap3A_222, %swap3A_223], %swap3A_226 {strides = array<i32>} : memref<128x128xf32, #tpu.memory_space<vmem>>, vector<1x16xf32>,
        %get3A_227 = arith.index_cast %add3A_170 : i32 to index
        %get3A_228 = arith.constant 64 : index
        %get3A_229 = tpu.vector_load %arg8[%get3A_227, %get3A_228] {strides = array<i32>} : memref<128x128xf32, #tpu.memory_space<vmem>>, vector<1x16xf32>,
        %get3A_230 = vector.shape_cast %get3A_229 : vector<1x16xf32> to vector<16xf32>
        %get3A_231 = arith.index_cast %add3A_170 : i32 to index
        %get3A_232 = arith.constant 64 : index
        %get3A_233 = tpu.vector_load %arg9[%get3A_231, %get3A_232] {strides = array<i32>} : memref<128x128xf32, #tpu.memory_space<vmem>>, vector<1x16xf32>,
        %get3A_234 = vector.shape_cast %get3A_233 : vector<1x16xf32> to vector<16xf32>
        %add3A_235 = arith.addf %get3A_230, %get3A_234 : vector<16xf32>
        %swap3A_236 = arith.index_cast %add3A_170 : i32 to index
        %swap3A_237 = arith.constant 64 : index
        %swap3A_238 = tpu.vector_load %arg8[%swap3A_236, %swap3A_237] {strides = array<i32>} : memref<128x128xf32, #tpu.memory_space<vmem>>, vector<1x16xf32>,
        %swap3A_239 = vector.shape_cast %swap3A_238 : vector<1x16xf32> to vector<16xf32>
        %swap3A_240 = vector.shape_cast %add3A_235 : vector<16xf32> to vector<1x16xf32>
        tpu.vector_store %arg8[%swap3A_236, %swap3A_237], %swap3A_240 {strides = array<i32>} : memref<128x128xf32, #tpu.memory_space<vmem>>, vector<1x16xf32>,
        %get3A_241 = arith.index_cast %add3A_170 : i32 to index
        %get3A_242 = arith.constant 80 : index
        %get3A_243 = tpu.vector_load %arg8[%get3A_241, %get3A_242] {strides = array<i32>} : memref<128x128xf32, #tpu.memory_space<vmem>>, vector<1x16xf32>,
        %get3A_244 = vector.shape_cast %get3A_243 : vector<1x16xf32> to vector<16xf32>
        %get3A_245 = arith.index_cast %add3A_170 : i32 to index
        %get3A_246 = arith.constant 80 : index
        %get3A_247 = tpu.vector_load %arg9[%get3A_245, %get3A_246] {strides = array<i32>} : memref<128x128xf32, #tpu.memory_space<vmem>>, vector<1x16xf32>,
        %get3A_248 = vector.shape_cast %get3A_247 : vector<1x16xf32> to vector<16xf32>
        %add3A_249 = arith.addf %get3A_244, %get3A_248 : vector<16xf32>
        %swap3A_250 = arith.index_cast %add3A_170 : i32 to index
        %swap3A_251 = arith.constant 80 : index
        %swap3A_252 = tpu.vector_load %arg8[%swap3A_250, %swap3A_251] {strides = array<i32>} : memref<128x128xf32, #tpu.memory_space<vmem>>, vector<1x16xf32>,
        %swap3A_253 = vector.shape_cast %swap3A_252 : vector<1x16xf32> to vector<16xf32>
        %swap3A_254 = vector.shape_cast %add3A_249 : vector<16xf32> to vector<1x16xf32>
        tpu.vector_store %arg8[%swap3A_250, %swap3A_251], %swap3A_254 {strides = array<i32>} : memref<128x128xf32, #tpu.memory_space<vmem>>, vector<1x16xf32>,
        %get3A_255 = arith.index_cast %add3A_170 : i32 to index
        %get3A_256 = arith.constant 96 : index
        %get3A_257 = tpu.vector_load %arg8[%get3A_255, %get3A_256] {strides = array<i32>} : memref<128x128xf32, #tpu.memory_space<vmem>>, vector<1x16xf32>,
        %get3A_258 = vector.shape_cast %get3A_257 : vector<1x16xf32> to vector<16xf32>
        %get3A_259 = arith.index_cast %add3A_170 : i32 to index
        %get3A_260 = arith.constant 96 : index
        %get3A_261 = tpu.vector_load %arg9[%get3A_259, %get3A_260] {strides = array<i32>} : memref<128x128xf32, #tpu.memory_space<vmem>>, vector<1x16xf32>,
        %get3A_262 = vector.shape_cast %get3A_261 : vector<1x16xf32> to vector<16xf32>
        %add3A_263 = arith.addf %get3A_258, %get3A_262 : vector<16xf32>
        %swap3A_264 = arith.index_cast %add3A_170 : i32 to index
        %swap3A_265 = arith.constant 96 : index
        %swap3A_266 = tpu.vector_load %arg8[%swap3A_264, %swap3A_265] {strides = array<i32>} : memref<128x128xf32, #tpu.memory_space<vmem>>, vector<1x16xf32>,
        %swap3A_267 = vector.shape_cast %swap3A_266 : vector<1x16xf32> to vector<16xf32>
        %swap3A_268 = vector.shape_cast %add3A_263 : vector<16xf32> to vector<1x16xf32>
        tpu.vector_store %arg8[%swap3A_264, %swap3A_265], %swap3A_268 {strides = array<i32>} : memref<128x128xf32, #tpu.memory_space<vmem>>, vector<1x16xf32>,
        %get3A_269 = arith.index_cast %add3A_170 : i32 to index
        %get3A_270 = arith.constant 112 : index
        %get3A_271 = tpu.vector_load %arg8[%get3A_269, %get3A_270] {strides = array<i32>} : memref<128x128xf32, #tpu.memory_space<vmem>>, vector<1x16xf32>,
        %get3A_272 = vector.shape_cast %get3A_271 : vector<1x16xf32> to vector<16xf32>
        %get3A_273 = arith.index_cast %add3A_170 : i32 to index
        %get3A_274 = arith.constant 112 : index
        %get3A_275 = tpu.vector_load %arg9[%get3A_273, %get3A_274] {strides = array<i32>} : memref<128x128xf32, #tpu.memory_space<vmem>>, vector<1x16xf32>,
        %get3A_276 = vector.shape_cast %get3A_275 : vector<1x16xf32> to vector<16xf32>
        %add3A_277 = arith.addf %get3A_272, %get3A_276 : vector<16xf32>
        %swap3A_278 = arith.index_cast %add3A_170 : i32 to index
        %swap3A_279 = arith.constant 112 : index
        %swap3A_280 = tpu.vector_load %arg8[%swap3A_278, %swap3A_279] {strides = array<i32>} : memref<128x128xf32, #tpu.memory_space<vmem>>, vector<1x16xf32>,
        %swap3A_281 = vector.shape_cast %swap3A_280 : vector<1x16xf32> to vector<16xf32>
        %swap3A_282 = vector.shape_cast %add3A_277 : vector<16xf32> to vector<1x16xf32>
        tpu.vector_store %arg8[%swap3A_278, %swap3A_279], %swap3A_282 {strides = array<i32>} : memref<128x128xf32, #tpu.memory_space<vmem>>, vector<1x16xf32>,
      }
      %scan3A_42 = arith.constant 64 : i32
      %mul3A_43 = arith.constant 128 : i32
      %mul3A_44 = arith.muli %mul3A_21, %mul3A_43 : i32
      "tpu.region"() ({
        %run_scoped3A = tpu.sem_alloc : memref<!tpu.dma_semaphore, #tpu.memory_space<semaphore_mem>>
        %dma_start3A_52 = arith.constant 0 : i32
        %dma_start3A_53 = tpu.memref_slice %arg5[%add3A, %mul3A_44, %dma_start3A_52] : memref<32x10112x128xf32, #tpu.memory_space<hbm>> -> memref<1x128x128xf32, #tpu.memory_space<hbm>>
        %dma_start3A_54 = tpu.memref_squeeze %dma_start3A_53 : memref<1x128x128xf32, #tpu.memory_space<hbm>> -> memref<128x128xf32, #tpu.memory_space<hbm>>
        %dma_start3A_55 = arith.constant 0 : i32
        %dma_start3A_56 = tpu.memref_slice %arg5[%add3A, %mul3A_44, %dma_start3A_55] : memref<32x10112x128xf32, #tpu.memory_space<hbm>> -> memref<1x128x128xf32, #tpu.memory_space<hbm>>
        %dma_start3A_57 = tpu.memref_squeeze %dma_start3A_56 : memref<1x128x128xf32, #tpu.memory_space<hbm>> -> memref<128x128xf32, #tpu.memory_space<hbm>>
        tpu.enqueue_dma source(%arg8 : memref<128x128xf32, #tpu.memory_space<vmem>>) target(%dma_start3A_57 : memref<128x128xf32, #tpu.memory_space<hbm>>) target_semaphore(%run_scoped3A : memref<!tpu.dma_semaphore, #tpu.memory_space<semaphore_mem>>)
        %dma_wait3A_58 = arith.constant 0 : i32
        %dma_wait3A_59 = tpu.memref_slice %arg5[%add3A, %mul3A_44, %dma_wait3A_58] : memref<32x10112x128xf32, #tpu.memory_space<hbm>> -> memref<1x128x128xf32, #tpu.memory_space<hbm>>
        %dma_wait3A_60 = tpu.memref_squeeze %dma_wait3A_59 : memref<1x128x128xf32, #tpu.memory_space<hbm>> -> memref<128x128xf32, #tpu.memory_space<hbm>>
        %dma_wait3A_61 = arith.constant 0 : i32
        %dma_wait3A_62 = tpu.memref_slice %arg5[%add3A, %mul3A_44, %dma_wait3A_61] : memref<32x10112x128xf32, #tpu.memory_space<hbm>> -> memref<1x128x128xf32, #tpu.memory_space<hbm>>
        %dma_wait3A_63 = tpu.memref_squeeze %dma_wait3A_62 : memref<1x128x128xf32, #tpu.memory_space<hbm>> -> memref<128x128xf32, #tpu.memory_space<hbm>>
        tpu.wait_dma2 semaphore(%run_scoped3A : memref<!tpu.dma_semaphore, #tpu.memory_space<semaphore_mem>>) src(%arg8 : memref<128x128xf32, #tpu.memory_space<vmem>>) dst(%dma_wait3A_63 : memref<128x128xf32, #tpu.memory_space<hbm>>)
        tpu.yield
      }) : () -> ()
      %add3A_45 = arith.constant 1 : i32
      %add3A_46 = arith.addi %mul3A_21, %add3A_45 : i32
      %lt3A_47 = arith.constant 79 : i32
      %lt3A_48 = arith.cmpi slt, %add3A_46, %lt3A_47 : i32
      %convert_element_type3A_49 = arith.extui %lt3A_48 : i1 to i32
      %cond3A_50 = arith.constant 0 : i32
      %cond3A_51 = arith.cmpi ne, %convert_element_type3A_49, %cond3A_50 : i32
      scf.if %cond3A_51 {
        %add3A_52 = arith.constant 1 : i32
        %add3A_53 = arith.addi %mul3A_21, %add3A_52 : i32
        %add3A_54 = arith.constant 1 : i32
        %add3A_55 = arith.addi %add3A_53, %add3A_54 : i32
        %lt3A_56 = arith.constant 79 : i32
        %lt3A_57 = arith.cmpi slt, %add3A_55, %lt3A_56 : i32
        %convert_element_type3A_58 = arith.extui %lt3A_57 : i1 to i32
        %cond3A_59 = arith.constant 0 : i32
        %cond3A_60 = arith.cmpi ne, %convert_element_type3A_58, %cond3A_59 : i32
        scf.if %cond3A_60 {
          %add3A_81 = arith.constant 1 : i32
          %add3A_82 = arith.addi %add3A_53, %add3A_81 : i32
          %dma_start3A_83 = arith.constant 0 : i32
          %dma_start3A_84 = tpu.memref_slice %arg6[%add3A_82, %dma_start3A_83] : memref<79x128xi32, #tpu.memory_space<vmem>> -> memref<1x128xi32, #tpu.memory_space<vmem>>
          %dma_start3A_85 = tpu.memref_squeeze %dma_start3A_84 : memref<1x128xi32, #tpu.memory_space<vmem>> -> memref<128xi32, #tpu.memory_space<vmem>>
          %dma_start3A_86 = arith.constant 0 : i32
          %dma_start3A_87 = arith.constant 0 : i32
          %dma_start3A_88 = tpu.memref_slice %arg2[%dma_start3A_86, %dma_start3A_87] : memref<10112x128xf32, #tpu.memory_space<hbm>> -> memref<10112x128xf32, #tpu.memory_space<hbm>>
          tpu.enqueue_indirect_dma source(%dma_start3A_88 : memref<10112x128xf32, #tpu.memory_space<hbm>>) target(%arg8 : memref<128x128xf32, #tpu.memory_space<vmem>>) offsets(%dma_start3A_85 : memref<128xi32, #tpu.memory_space<vmem>>) semaphore(%arg12 : memref<!tpu.dma_semaphore, #tpu.memory_space<semaphore_mem>>)
          %add3A_89 = arith.constant 1 : i32
          %add3A_90 = arith.addi %add3A_53, %add3A_89 : i32
          %dma_start3A_91 = arith.constant 0 : i32
          %dma_start3A_92 = tpu.memref_slice %arg7[%add3A_90, %dma_start3A_91] : memref<79x128xi32, #tpu.memory_space<vmem>> -> memref<1x128xi32, #tpu.memory_space<vmem>>
          %dma_start3A_93 = tpu.memref_squeeze %dma_start3A_92 : memref<1x128xi32, #tpu.memory_space<vmem>> -> memref<128xi32, #tpu.memory_space<vmem>>
          %dma_start3A_94 = arith.constant 0 : i32
          %dma_start3A_95 = arith.constant 0 : i32
          %dma_start3A_96 = tpu.memref_slice %arg2[%dma_start3A_94, %dma_start3A_95] : memref<10112x128xf32, #tpu.memory_space<hbm>> -> memref<10112x128xf32, #tpu.memory_space<hbm>>
          tpu.enqueue_indirect_dma source(%dma_start3A_96 : memref<10112x128xf32, #tpu.memory_space<hbm>>) target(%arg9 : memref<128x128xf32, #tpu.memory_space<vmem>>) offsets(%dma_start3A_93 : memref<128xi32, #tpu.memory_space<vmem>>) semaphore(%arg13 : memref<!tpu.dma_semaphore, #tpu.memory_space<semaphore_mem>>)
        } else {
        }
        %dma_wait3A_61 = arith.constant 0 : i32
        %dma_wait3A_62 = tpu.memref_slice %arg6[%add3A_53, %dma_wait3A_61] : memref<79x128xi32, #tpu.memory_space<vmem>> -> memref<1x128xi32, #tpu.memory_space<vmem>>
        %dma_wait3A_63 = tpu.memref_squeeze %dma_wait3A_62 : memref<1x128xi32, #tpu.memory_space<vmem>> -> memref<128xi32, #tpu.memory_space<vmem>>
        %dma_wait3A_64 = arith.constant 0 : i32
        %dma_wait3A_65 = arith.constant 0 : i32
        %dma_wait3A_66 = tpu.memref_slice %arg2[%dma_wait3A_64, %dma_wait3A_65] : memref<10112x128xf32, #tpu.memory_space<hbm>> -> memref<10112x128xf32, #tpu.memory_space<hbm>>
        tpu.wait_indirect_dma semaphore(%arg14 : memref<!tpu.dma_semaphore, #tpu.memory_space<semaphore_mem>>) src(%dma_wait3A_66 : memref<10112x128xf32, #tpu.memory_space<hbm>>) dst(%arg10 : memref<128x128xf32, #tpu.memory_space<vmem>>)
        %dma_wait3A_67 = arith.constant 0 : i32
        %dma_wait3A_68 = tpu.memref_slice %arg7[%add3A_53, %dma_wait3A_67] : memref<79x128xi32, #tpu.memory_space<vmem>> -> memref<1x128xi32, #tpu.memory_space<vmem>>
        %dma_wait3A_69 = tpu.memref_squeeze %dma_wait3A_68 : memref<1x128xi32, #tpu.memory_space<vmem>> -> memref<128xi32, #tpu.memory_space<vmem>>
        %dma_wait3A_70 = arith.constant 0 : i32
        %dma_wait3A_71 = arith.constant 0 : i32
        %dma_wait3A_72 = tpu.memref_slice %arg2[%dma_wait3A_70, %dma_wait3A_71] : memref<10112x128xf32, #tpu.memory_space<hbm>> -> memref<10112x128xf32, #tpu.memory_space<hbm>>
        tpu.wait_indirect_dma semaphore(%arg15 : memref<!tpu.dma_semaphore, #tpu.memory_space<semaphore_mem>>) src(%dma_wait3A_72 : memref<10112x128xf32, #tpu.memory_space<hbm>>) dst(%arg11 : memref<128x128xf32, #tpu.memory_space<vmem>>)
        %scan3A_73 = arith.constant 0 : i32
        %scan3A_74 = arith.constant 0 : i32
        %scan3A_75 = arith.constant 64 : i32
        %scan3A_76 = arith.addi %scan3A_74, %scan3A_75 : i32
        %scan3A_77 = arith.constant 1 : i32
        scf.for %scan3A_81 = %scan3A_74 to %scan3A_76 step %scan3A_77  : i32 {
          %mul3A_82 = arith.constant 2 : i32
          %mul3A_83 = arith.muli %mul3A_82, %scan3A_81 : i32
          %add3A_84 = arith.constant 0 : i32
          %add3A_85 = arith.addi %mul3A_83, %add3A_84 : i32
          %get3A = arith.index_cast %add3A_85 : i32 to index
          %get3A_86 = arith.constant 0 : index
          %get3A_87 = tpu.vector_load %arg10[%get3A, %get3A_86] {strides = array<i32>} : memref<128x128xf32, #tpu.memory_space<vmem>>, vector<1x16xf32>,
          %get3A_88 = vector.shape_cast %get3A_87 : vector<1x16xf32> to vector<16xf32>
          %get3A_89 = arith.index_cast %add3A_85 : i32 to index
          %get3A_90 = arith.constant 0 : index
          %get3A_91 = tpu.vector_load %arg11[%get3A_89, %get3A_90] {strides = array<i32>} : memref<128x128xf32, #tpu.memory_space<vmem>>, vector<1x16xf32>,
          %get3A_92 = vector.shape_cast %get3A_91 : vector<1x16xf32> to vector<16xf32>
          %add3A_93 = arith.addf %get3A_88, %get3A_92 : vector<16xf32>
          %swap3A = arith.index_cast %add3A_85 : i32 to index
          %swap3A_94 = arith.constant 0 : index
          %swap3A_95 = tpu.vector_load %arg10[%swap3A, %swap3A_94] {strides = array<i32>} : memref<128x128xf32, #tpu.memory_space<vmem>>, vector<1x16xf32>,
          %swap3A_96 = vector.shape_cast %swap3A_95 : vector<1x16xf32> to vector<16xf32>
          %swap3A_97 = vector.shape_cast %add3A_93 : vector<16xf32> to vector<1x16xf32>
          tpu.vector_store %arg10[%swap3A, %swap3A_94], %swap3A_97 {strides = array<i32>} : memref<128x128xf32, #tpu.memory_space<vmem>>, vector<1x16xf32>,
          %get3A_98 = arith.index_cast %add3A_85 : i32 to index
          %get3A_99 = arith.constant 16 : index
          %get3A_100 = tpu.vector_load %arg10[%get3A_98, %get3A_99] {strides = array<i32>} : memref<128x128xf32, #tpu.memory_space<vmem>>, vector<1x16xf32>,
          %get3A_101 = vector.shape_cast %get3A_100 : vector<1x16xf32> to vector<16xf32>
          %get3A_102 = arith.index_cast %add3A_85 : i32 to index
          %get3A_103 = arith.constant 16 : index
          %get3A_104 = tpu.vector_load %arg11[%get3A_102, %get3A_103] {strides = array<i32>} : memref<128x128xf32, #tpu.memory_space<vmem>>, vector<1x16xf32>,
          %get3A_105 = vector.shape_cast %get3A_104 : vector<1x16xf32> to vector<16xf32>
          %add3A_106 = arith.addf %get3A_101, %get3A_105 : vector<16xf32>
          %swap3A_107 = arith.index_cast %add3A_85 : i32 to index
          %swap3A_108 = arith.constant 16 : index
          %swap3A_109 = tpu.vector_load %arg10[%swap3A_107, %swap3A_108] {strides = array<i32>} : memref<128x128xf32, #tpu.memory_space<vmem>>, vector<1x16xf32>,
          %swap3A_110 = vector.shape_cast %swap3A_109 : vector<1x16xf32> to vector<16xf32>
          %swap3A_111 = vector.shape_cast %add3A_106 : vector<16xf32> to vector<1x16xf32>
          tpu.vector_store %arg10[%swap3A_107, %swap3A_108], %swap3A_111 {strides = array<i32>} : memref<128x128xf32, #tpu.memory_space<vmem>>, vector<1x16xf32>,
          %get3A_112 = arith.index_cast %add3A_85 : i32 to index
          %get3A_113 = arith.constant 32 : index
          %get3A_114 = tpu.vector_load %arg10[%get3A_112, %get3A_113] {strides = array<i32>} : memref<128x128xf32, #tpu.memory_space<vmem>>, vector<1x16xf32>,
          %get3A_115 = vector.shape_cast %get3A_114 : vector<1x16xf32> to vector<16xf32>
          %get3A_116 = arith.index_cast %add3A_85 : i32 to index
          %get3A_117 = arith.constant 32 : index
          %get3A_118 = tpu.vector_load %arg11[%get3A_116, %get3A_117] {strides = array<i32>} : memref<128x128xf32, #tpu.memory_space<vmem>>, vector<1x16xf32>,
          %get3A_119 = vector.shape_cast %get3A_118 : vector<1x16xf32> to vector<16xf32>
          %add3A_120 = arith.addf %get3A_115, %get3A_119 : vector<16xf32>
          %swap3A_121 = arith.index_cast %add3A_85 : i32 to index
          %swap3A_122 = arith.constant 32 : index
          %swap3A_123 = tpu.vector_load %arg10[%swap3A_121, %swap3A_122] {strides = array<i32>} : memref<128x128xf32, #tpu.memory_space<vmem>>, vector<1x16xf32>,
          %swap3A_124 = vector.shape_cast %swap3A_123 : vector<1x16xf32> to vector<16xf32>
          %swap3A_125 = vector.shape_cast %add3A_120 : vector<16xf32> to vector<1x16xf32>
          tpu.vector_store %arg10[%swap3A_121, %swap3A_122], %swap3A_125 {strides = array<i32>} : memref<128x128xf32, #tpu.memory_space<vmem>>, vector<1x16xf32>,
          %get3A_126 = arith.index_cast %add3A_85 : i32 to index
          %get3A_127 = arith.constant 48 : index
          %get3A_128 = tpu.vector_load %arg10[%get3A_126, %get3A_127] {strides = array<i32>} : memref<128x128xf32, #tpu.memory_space<vmem>>, vector<1x16xf32>,
          %get3A_129 = vector.shape_cast %get3A_128 : vector<1x16xf32> to vector<16xf32>
          %get3A_130 = arith.index_cast %add3A_85 : i32 to index
          %get3A_131 = arith.constant 48 : index
          %get3A_132 = tpu.vector_load %arg11[%get3A_130, %get3A_131] {strides = array<i32>} : memref<128x128xf32, #tpu.memory_space<vmem>>, vector<1x16xf32>,
          %get3A_133 = vector.shape_cast %get3A_132 : vector<1x16xf32> to vector<16xf32>
          %add3A_134 = arith.addf %get3A_129, %get3A_133 : vector<16xf32>
          %swap3A_135 = arith.index_cast %add3A_85 : i32 to index
          %swap3A_136 = arith.constant 48 : index
          %swap3A_137 = tpu.vector_load %arg10[%swap3A_135, %swap3A_136] {strides = array<i32>} : memref<128x128xf32, #tpu.memory_space<vmem>>, vector<1x16xf32>,
          %swap3A_138 = vector.shape_cast %swap3A_137 : vector<1x16xf32> to vector<16xf32>
          %swap3A_139 = vector.shape_cast %add3A_134 : vector<16xf32> to vector<1x16xf32>
          tpu.vector_store %arg10[%swap3A_135, %swap3A_136], %swap3A_139 {strides = array<i32>} : memref<128x128xf32, #tpu.memory_space<vmem>>, vector<1x16xf32>,
          %get3A_140 = arith.index_cast %add3A_85 : i32 to index
          %get3A_141 = arith.constant 64 : index
          %get3A_142 = tpu.vector_load %arg10[%get3A_140, %get3A_141] {strides = array<i32>} : memref<128x128xf32, #tpu.memory_space<vmem>>, vector<1x16xf32>,
          %get3A_143 = vector.shape_cast %get3A_142 : vector<1x16xf32> to vector<16xf32>
          %get3A_144 = arith.index_cast %add3A_85 : i32 to index
          %get3A_145 = arith.constant 64 : index
          %get3A_146 = tpu.vector_load %arg11[%get3A_144, %get3A_145] {strides = array<i32>} : memref<128x128xf32, #tpu.memory_space<vmem>>, vector<1x16xf32>,
          %get3A_147 = vector.shape_cast %get3A_146 : vector<1x16xf32> to vector<16xf32>
          %add3A_148 = arith.addf %get3A_143, %get3A_147 : vector<16xf32>
          %swap3A_149 = arith.index_cast %add3A_85 : i32 to index
          %swap3A_150 = arith.constant 64 : index
          %swap3A_151 = tpu.vector_load %arg10[%swap3A_149, %swap3A_150] {strides = array<i32>} : memref<128x128xf32, #tpu.memory_space<vmem>>, vector<1x16xf32>,
          %swap3A_152 = vector.shape_cast %swap3A_151 : vector<1x16xf32> to vector<16xf32>
          %swap3A_153 = vector.shape_cast %add3A_148 : vector<16xf32> to vector<1x16xf32>
          tpu.vector_store %arg10[%swap3A_149, %swap3A_150], %swap3A_153 {strides = array<i32>} : memref<128x128xf32, #tpu.memory_space<vmem>>, vector<1x16xf32>,
          %get3A_154 = arith.index_cast %add3A_85 : i32 to index
          %get3A_155 = arith.constant 80 : index
          %get3A_156 = tpu.vector_load %arg10[%get3A_154, %get3A_155] {strides = array<i32>} : memref<128x128xf32, #tpu.memory_space<vmem>>, vector<1x16xf32>,
          %get3A_157 = vector.shape_cast %get3A_156 : vector<1x16xf32> to vector<16xf32>
          %get3A_158 = arith.index_cast %add3A_85 : i32 to index
          %get3A_159 = arith.constant 80 : index
          %get3A_160 = tpu.vector_load %arg11[%get3A_158, %get3A_159] {strides = array<i32>} : memref<128x128xf32, #tpu.memory_space<vmem>>, vector<1x16xf32>,
          %get3A_161 = vector.shape_cast %get3A_160 : vector<1x16xf32> to vector<16xf32>
          %add3A_162 = arith.addf %get3A_157, %get3A_161 : vector<16xf32>
          %swap3A_163 = arith.index_cast %add3A_85 : i32 to index
          %swap3A_164 = arith.constant 80 : index
          %swap3A_165 = tpu.vector_load %arg10[%swap3A_163, %swap3A_164] {strides = array<i32>} : memref<128x128xf32, #tpu.memory_space<vmem>>, vector<1x16xf32>,
          %swap3A_166 = vector.shape_cast %swap3A_165 : vector<1x16xf32> to vector<16xf32>
          %swap3A_167 = vector.shape_cast %add3A_162 : vector<16xf32> to vector<1x16xf32>
          tpu.vector_store %arg10[%swap3A_163, %swap3A_164], %swap3A_167 {strides = array<i32>} : memref<128x128xf32, #tpu.memory_space<vmem>>, vector<1x16xf32>,
          %get3A_168 = arith.index_cast %add3A_85 : i32 to index
          %get3A_169 = arith.constant 96 : index
          %get3A_170 = tpu.vector_load %arg10[%get3A_168, %get3A_169] {strides = array<i32>} : memref<128x128xf32, #tpu.memory_space<vmem>>, vector<1x16xf32>,
          %get3A_171 = vector.shape_cast %get3A_170 : vector<1x16xf32> to vector<16xf32>
          %get3A_172 = arith.index_cast %add3A_85 : i32 to index
          %get3A_173 = arith.constant 96 : index
          %get3A_174 = tpu.vector_load %arg11[%get3A_172, %get3A_173] {strides = array<i32>} : memref<128x128xf32, #tpu.memory_space<vmem>>, vector<1x16xf32>,
          %get3A_175 = vector.shape_cast %get3A_174 : vector<1x16xf32> to vector<16xf32>
          %add3A_176 = arith.addf %get3A_171, %get3A_175 : vector<16xf32>
          %swap3A_177 = arith.index_cast %add3A_85 : i32 to index
          %swap3A_178 = arith.constant 96 : index
          %swap3A_179 = tpu.vector_load %arg10[%swap3A_177, %swap3A_178] {strides = array<i32>} : memref<128x128xf32, #tpu.memory_space<vmem>>, vector<1x16xf32>,
          %swap3A_180 = vector.shape_cast %swap3A_179 : vector<1x16xf32> to vector<16xf32>
          %swap3A_181 = vector.shape_cast %add3A_176 : vector<16xf32> to vector<1x16xf32>
          tpu.vector_store %arg10[%swap3A_177, %swap3A_178], %swap3A_181 {strides = array<i32>} : memref<128x128xf32, #tpu.memory_space<vmem>>, vector<1x16xf32>,
          %get3A_182 = arith.index_cast %add3A_85 : i32 to index
          %get3A_183 = arith.constant 112 : index
          %get3A_184 = tpu.vector_load %arg10[%get3A_182, %get3A_183] {strides = array<i32>} : memref<128x128xf32, #tpu.memory_space<vmem>>, vector<1x16xf32>,
          %get3A_185 = vector.shape_cast %get3A_184 : vector<1x16xf32> to vector<16xf32>
          %get3A_186 = arith.index_cast %add3A_85 : i32 to index
          %get3A_187 = arith.constant 112 : index
          %get3A_188 = tpu.vector_load %arg11[%get3A_186, %get3A_187] {strides = array<i32>} : memref<128x128xf32, #tpu.memory_space<vmem>>, vector<1x16xf32>,
          %get3A_189 = vector.shape_cast %get3A_188 : vector<1x16xf32> to vector<16xf32>
          %add3A_190 = arith.addf %get3A_185, %get3A_189 : vector<16xf32>
          %swap3A_191 = arith.index_cast %add3A_85 : i32 to index
          %swap3A_192 = arith.constant 112 : index
          %swap3A_193 = tpu.vector_load %arg10[%swap3A_191, %swap3A_192] {strides = array<i32>} : memref<128x128xf32, #tpu.memory_space<vmem>>, vector<1x16xf32>,
          %swap3A_194 = vector.shape_cast %swap3A_193 : vector<1x16xf32> to vector<16xf32>
          %swap3A_195 = vector.shape_cast %add3A_190 : vector<16xf32> to vector<1x16xf32>
          tpu.vector_store %arg10[%swap3A_191, %swap3A_192], %swap3A_195 {strides = array<i32>} : memref<128x128xf32, #tpu.memory_space<vmem>>, vector<1x16xf32>,
          %mul3A_196 = arith.constant 2 : i32
          %mul3A_197 = arith.muli %mul3A_196, %scan3A_81 : i32
          %add3A_198 = arith.constant 1 : i32
          %add3A_199 = arith.addi %mul3A_197, %add3A_198 : i32
          %get3A_200 = arith.index_cast %add3A_199 : i32 to index
          %get3A_201 = arith.constant 0 : index
          %get3A_202 = tpu.vector_load %arg10[%get3A_200, %get3A_201] {strides = array<i32>} : memref<128x128xf32, #tpu.memory_space<vmem>>, vector<1x16xf32>,
          %get3A_203 = vector.shape_cast %get3A_202 : vector<1x16xf32> to vector<16xf32>
          %get3A_204 = arith.index_cast %add3A_199 : i32 to index
          %get3A_205 = arith.constant 0 : index
          %get3A_206 = tpu.vector_load %arg11[%get3A_204, %get3A_205] {strides = array<i32>} : memref<128x128xf32, #tpu.memory_space<vmem>>, vector<1x16xf32>,
          %get3A_207 = vector.shape_cast %get3A_206 : vector<1x16xf32> to vector<16xf32>
          %add3A_208 = arith.addf %get3A_203, %get3A_207 : vector<16xf32>
          %swap3A_209 = arith.index_cast %add3A_199 : i32 to index
          %swap3A_210 = arith.constant 0 : index
          %swap3A_211 = tpu.vector_load %arg10[%swap3A_209, %swap3A_210] {strides = array<i32>} : memref<128x128xf32, #tpu.memory_space<vmem>>, vector<1x16xf32>,
          %swap3A_212 = vector.shape_cast %swap3A_211 : vector<1x16xf32> to vector<16xf32>
          %swap3A_213 = vector.shape_cast %add3A_208 : vector<16xf32> to vector<1x16xf32>
          tpu.vector_store %arg10[%swap3A_209, %swap3A_210], %swap3A_213 {strides = array<i32>} : memref<128x128xf32, #tpu.memory_space<vmem>>, vector<1x16xf32>,
          %get3A_214 = arith.index_cast %add3A_199 : i32 to index
          %get3A_215 = arith.constant 16 : index
          %get3A_216 = tpu.vector_load %arg10[%get3A_214, %get3A_215] {strides = array<i32>} : memref<128x128xf32, #tpu.memory_space<vmem>>, vector<1x16xf32>,
          %get3A_217 = vector.shape_cast %get3A_216 : vector<1x16xf32> to vector<16xf32>
          %get3A_218 = arith.index_cast %add3A_199 : i32 to index
          %get3A_219 = arith.constant 16 : index
          %get3A_220 = tpu.vector_load %arg11[%get3A_218, %get3A_219] {strides = array<i32>} : memref<128x128xf32, #tpu.memory_space<vmem>>, vector<1x16xf32>,
          %get3A_221 = vector.shape_cast %get3A_220 : vector<1x16xf32> to vector<16xf32>
          %add3A_222 = arith.addf %get3A_217, %get3A_221 : vector<16xf32>
          %swap3A_223 = arith.index_cast %add3A_199 : i32 to index
          %swap3A_224 = arith.constant 16 : index
          %swap3A_225 = tpu.vector_load %arg10[%swap3A_223, %swap3A_224] {strides = array<i32>} : memref<128x128xf32, #tpu.memory_space<vmem>>, vector<1x16xf32>,
          %swap3A_226 = vector.shape_cast %swap3A_225 : vector<1x16xf32> to vector<16xf32>
          %swap3A_227 = vector.shape_cast %add3A_222 : vector<16xf32> to vector<1x16xf32>
          tpu.vector_store %arg10[%swap3A_223, %swap3A_224], %swap3A_227 {strides = array<i32>} : memref<128x128xf32, #tpu.memory_space<vmem>>, vector<1x16xf32>,
          %get3A_228 = arith.index_cast %add3A_199 : i32 to index
          %get3A_229 = arith.constant 32 : index
          %get3A_230 = tpu.vector_load %arg10[%get3A_228, %get3A_229] {strides = array<i32>} : memref<128x128xf32, #tpu.memory_space<vmem>>, vector<1x16xf32>,
          %get3A_231 = vector.shape_cast %get3A_230 : vector<1x16xf32> to vector<16xf32>
          %get3A_232 = arith.index_cast %add3A_199 : i32 to index
          %get3A_233 = arith.constant 32 : index
          %get3A_234 = tpu.vector_load %arg11[%get3A_232, %get3A_233] {strides = array<i32>} : memref<128x128xf32, #tpu.memory_space<vmem>>, vector<1x16xf32>,
          %get3A_235 = vector.shape_cast %get3A_234 : vector<1x16xf32> to vector<16xf32>
          %add3A_236 = arith.addf %get3A_231, %get3A_235 : vector<16xf32>
          %swap3A_237 = arith.index_cast %add3A_199 : i32 to index
          %swap3A_238 = arith.constant 32 : index
          %swap3A_239 = tpu.vector_load %arg10[%swap3A_237, %swap3A_238] {strides = array<i32>} : memref<128x128xf32, #tpu.memory_space<vmem>>, vector<1x16xf32>,
          %swap3A_240 = vector.shape_cast %swap3A_239 : vector<1x16xf32> to vector<16xf32>
          %swap3A_241 = vector.shape_cast %add3A_236 : vector<16xf32> to vector<1x16xf32>
          tpu.vector_store %arg10[%swap3A_237, %swap3A_238], %swap3A_241 {strides = array<i32>} : memref<128x128xf32, #tpu.memory_space<vmem>>, vector<1x16xf32>,
          %get3A_242 = arith.index_cast %add3A_199 : i32 to index
          %get3A_243 = arith.constant 48 : index
          %get3A_244 = tpu.vector_load %arg10[%get3A_242, %get3A_243] {strides = array<i32>} : memref<128x128xf32, #tpu.memory_space<vmem>>, vector<1x16xf32>,
          %get3A_245 = vector.shape_cast %get3A_244 : vector<1x16xf32> to vector<16xf32>
          %get3A_246 = arith.index_cast %add3A_199 : i32 to index
          %get3A_247 = arith.constant 48 : index
          %get3A_248 = tpu.vector_load %arg11[%get3A_246, %get3A_247] {strides = array<i32>} : memref<128x128xf32, #tpu.memory_space<vmem>>, vector<1x16xf32>,
          %get3A_249 = vector.shape_cast %get3A_248 : vector<1x16xf32> to vector<16xf32>
          %add3A_250 = arith.addf %get3A_245, %get3A_249 : vector<16xf32>
          %swap3A_251 = arith.index_cast %add3A_199 : i32 to index
          %swap3A_252 = arith.constant 48 : index
          %swap3A_253 = tpu.vector_load %arg10[%swap3A_251, %swap3A_252] {strides = array<i32>} : memref<128x128xf32, #tpu.memory_space<vmem>>, vector<1x16xf32>,
          %swap3A_254 = vector.shape_cast %swap3A_253 : vector<1x16xf32> to vector<16xf32>
          %swap3A_255 = vector.shape_cast %add3A_250 : vector<16xf32> to vector<1x16xf32>
          tpu.vector_store %arg10[%swap3A_251, %swap3A_252], %swap3A_255 {strides = array<i32>} : memref<128x128xf32, #tpu.memory_space<vmem>>, vector<1x16xf32>,
          %get3A_256 = arith.index_cast %add3A_199 : i32 to index
          %get3A_257 = arith.constant 64 : index
          %get3A_258 = tpu.vector_load %arg10[%get3A_256, %get3A_257] {strides = array<i32>} : memref<128x128xf32, #tpu.memory_space<vmem>>, vector<1x16xf32>,
          %get3A_259 = vector.shape_cast %get3A_258 : vector<1x16xf32> to vector<16xf32>
          %get3A_260 = arith.index_cast %add3A_199 : i32 to index
          %get3A_261 = arith.constant 64 : index
          %get3A_262 = tpu.vector_load %arg11[%get3A_260, %get3A_261] {strides = array<i32>} : memref<128x128xf32, #tpu.memory_space<vmem>>, vector<1x16xf32>,
          %get3A_263 = vector.shape_cast %get3A_262 : vector<1x16xf32> to vector<16xf32>
          %add3A_264 = arith.addf %get3A_259, %get3A_263 : vector<16xf32>
          %swap3A_265 = arith.index_cast %add3A_199 : i32 to index
          %swap3A_266 = arith.constant 64 : index
          %swap3A_267 = tpu.vector_load %arg10[%swap3A_265, %swap3A_266] {strides = array<i32>} : memref<128x128xf32, #tpu.memory_space<vmem>>, vector<1x16xf32>,
          %swap3A_268 = vector.shape_cast %swap3A_267 : vector<1x16xf32> to vector<16xf32>
          %swap3A_269 = vector.shape_cast %add3A_264 : vector<16xf32> to vector<1x16xf32>
          tpu.vector_store %arg10[%swap3A_265, %swap3A_266], %swap3A_269 {strides = array<i32>} : memref<128x128xf32, #tpu.memory_space<vmem>>, vector<1x16xf32>,
          %get3A_270 = arith.index_cast %add3A_199 : i32 to index
          %get3A_271 = arith.constant 80 : index
          %get3A_272 = tpu.vector_load %arg10[%get3A_270, %get3A_271] {strides = array<i32>} : memref<128x128xf32, #tpu.memory_space<vmem>>, vector<1x16xf32>,
          %get3A_273 = vector.shape_cast %get3A_272 : vector<1x16xf32> to vector<16xf32>
          %get3A_274 = arith.index_cast %add3A_199 : i32 to index
          %get3A_275 = arith.constant 80 : index
          %get3A_276 = tpu.vector_load %arg11[%get3A_274, %get3A_275] {strides = array<i32>} : memref<128x128xf32, #tpu.memory_space<vmem>>, vector<1x16xf32>,
          %get3A_277 = vector.shape_cast %get3A_276 : vector<1x16xf32> to vector<16xf32>
          %add3A_278 = arith.addf %get3A_273, %get3A_277 : vector<16xf32>
          %swap3A_279 = arith.index_cast %add3A_199 : i32 to index
          %swap3A_280 = arith.constant 80 : index
          %swap3A_281 = tpu.vector_load %arg10[%swap3A_279, %swap3A_280] {strides = array<i32>} : memref<128x128xf32, #tpu.memory_space<vmem>>, vector<1x16xf32>,
          %swap3A_282 = vector.shape_cast %swap3A_281 : vector<1x16xf32> to vector<16xf32>
          %swap3A_283 = vector.shape_cast %add3A_278 : vector<16xf32> to vector<1x16xf32>
          tpu.vector_store %arg10[%swap3A_279, %swap3A_280], %swap3A_283 {strides = array<i32>} : memref<128x128xf32, #tpu.memory_space<vmem>>, vector<1x16xf32>,
          %get3A_284 = arith.index_cast %add3A_199 : i32 to index
          %get3A_285 = arith.constant 96 : index
          %get3A_286 = tpu.vector_load %arg10[%get3A_284, %get3A_285] {strides = array<i32>} : memref<128x128xf32, #tpu.memory_space<vmem>>, vector<1x16xf32>,
          %get3A_287 = vector.shape_cast %get3A_286 : vector<1x16xf32> to vector<16xf32>
          %get3A_288 = arith.index_cast %add3A_199 : i32 to index
          %get3A_289 = arith.constant 96 : index
          %get3A_290 = tpu.vector_load %arg11[%get3A_288, %get3A_289] {strides = array<i32>} : memref<128x128xf32, #tpu.memory_space<vmem>>, vector<1x16xf32>,
          %get3A_291 = vector.shape_cast %get3A_290 : vector<1x16xf32> to vector<16xf32>
          %add3A_292 = arith.addf %get3A_287, %get3A_291 : vector<16xf32>
          %swap3A_293 = arith.index_cast %add3A_199 : i32 to index
          %swap3A_294 = arith.constant 96 : index
          %swap3A_295 = tpu.vector_load %arg10[%swap3A_293, %swap3A_294] {strides = array<i32>} : memref<128x128xf32, #tpu.memory_space<vmem>>, vector<1x16xf32>,
          %swap3A_296 = vector.shape_cast %swap3A_295 : vector<1x16xf32> to vector<16xf32>
          %swap3A_297 = vector.shape_cast %add3A_292 : vector<16xf32> to vector<1x16xf32>
          tpu.vector_store %arg10[%swap3A_293, %swap3A_294], %swap3A_297 {strides = array<i32>} : memref<128x128xf32, #tpu.memory_space<vmem>>, vector<1x16xf32>,
          %get3A_298 = arith.index_cast %add3A_199 : i32 to index
          %get3A_299 = arith.constant 112 : index
          %get3A_300 = tpu.vector_load %arg10[%get3A_298, %get3A_299] {strides = array<i32>} : memref<128x128xf32, #tpu.memory_space<vmem>>, vector<1x16xf32>,
          %get3A_301 = vector.shape_cast %get3A_300 : vector<1x16xf32> to vector<16xf32>
          %get3A_302 = arith.index_cast %add3A_199 : i32 to index
          %get3A_303 = arith.constant 112 : index
          %get3A_304 = tpu.vector_load %arg11[%get3A_302, %get3A_303] {strides = array<i32>} : memref<128x128xf32, #tpu.memory_space<vmem>>, vector<1x16xf32>,
          %get3A_305 = vector.shape_cast %get3A_304 : vector<1x16xf32> to vector<16xf32>
          %add3A_306 = arith.addf %get3A_301, %get3A_305 : vector<16xf32>
          %swap3A_307 = arith.index_cast %add3A_199 : i32 to index
          %swap3A_308 = arith.constant 112 : index
          %swap3A_309 = tpu.vector_load %arg10[%swap3A_307, %swap3A_308] {strides = array<i32>} : memref<128x128xf32, #tpu.memory_space<vmem>>, vector<1x16xf32>,
          %swap3A_310 = vector.shape_cast %swap3A_309 : vector<1x16xf32> to vector<16xf32>
          %swap3A_311 = vector.shape_cast %add3A_306 : vector<16xf32> to vector<1x16xf32>
          tpu.vector_store %arg10[%swap3A_307, %swap3A_308], %swap3A_311 {strides = array<i32>} : memref<128x128xf32, #tpu.memory_space<vmem>>, vector<1x16xf32>,
        }
        %scan3A_78 = arith.constant 64 : i32
        %mul3A_79 = arith.constant 128 : i32
        %mul3A_80 = arith.muli %add3A_53, %mul3A_79 : i32
        "tpu.region"() ({
          %run_scoped3A = tpu.sem_alloc : memref<!tpu.dma_semaphore, #tpu.memory_space<semaphore_mem>>
          %dma_start3A_81 = arith.constant 0 : i32
          %dma_start3A_82 = tpu.memref_slice %arg5[%add3A, %mul3A_80, %dma_start3A_81] : memref<32x10112x128xf32, #tpu.memory_space<hbm>> -> memref<1x128x128xf32, #tpu.memory_space<hbm>>
          %dma_start3A_83 = tpu.memref_squeeze %dma_start3A_82 : memref<1x128x128xf32, #tpu.memory_space<hbm>> -> memref<128x128xf32, #tpu.memory_space<hbm>>
          %dma_start3A_84 = arith.constant 0 : i32
          %dma_start3A_85 = tpu.memref_slice %arg5[%add3A, %mul3A_80, %dma_start3A_84] : memref<32x10112x128xf32, #tpu.memory_space<hbm>> -> memref<1x128x128xf32, #tpu.memory_space<hbm>>
          %dma_start3A_86 = tpu.memref_squeeze %dma_start3A_85 : memref<1x128x128xf32, #tpu.memory_space<hbm>> -> memref<128x128xf32, #tpu.memory_space<hbm>>
          tpu.enqueue_dma source(%arg10 : memref<128x128xf32, #tpu.memory_space<vmem>>) target(%dma_start3A_86 : memref<128x128xf32, #tpu.memory_space<hbm>>) target_semaphore(%run_scoped3A : memref<!tpu.dma_semaphore, #tpu.memory_space<semaphore_mem>>)
          %dma_wait3A_87 = arith.constant 0 : i32
          %dma_wait3A_88 = tpu.memref_slice %arg5[%add3A, %mul3A_80, %dma_wait3A_87] : memref<32x10112x128xf32, #tpu.memory_space<hbm>> -> memref<1x128x128xf32, #tpu.memory_space<hbm>>
          %dma_wait3A_89 = tpu.memref_squeeze %dma_wait3A_88 : memref<1x128x128xf32, #tpu.memory_space<hbm>> -> memref<128x128xf32, #tpu.memory_space<hbm>>
          %dma_wait3A_90 = arith.constant 0 : i32
          %dma_wait3A_91 = tpu.memref_slice %arg5[%add3A, %mul3A_80, %dma_wait3A_90] : memref<32x10112x128xf32, #tpu.memory_space<hbm>> -> memref<1x128x128xf32, #tpu.memory_space<hbm>>
          %dma_wait3A_92 = tpu.memref_squeeze %dma_wait3A_91 : memref<1x128x128xf32, #tpu.memory_space<hbm>> -> memref<128x128xf32, #tpu.memory_space<hbm>>
          tpu.wait_dma2 semaphore(%run_scoped3A : memref<!tpu.dma_semaphore, #tpu.memory_space<semaphore_mem>>) src(%arg10 : memref<128x128xf32, #tpu.memory_space<vmem>>) dst(%dma_wait3A_92 : memref<128x128xf32, #tpu.memory_space<hbm>>)
          tpu.yield
        }) : () -> ()
      } else {
      }
    }
    %scan3A_18 = arith.constant 40 : i32
    return
  }
}

module attributes {stable_mosaic.version = 14 : i64} {
  func.func @_mm_body(%arg0: memref<10000x128xf32, #tpu.memory_space<vmem>>, %arg1: memref<128x128xf32, #tpu.memory_space<vmem>>, %arg2: memref<10000x128xf32, #tpu.memory_space<vmem>>) attributes {dimension_semantics = [], scalar_prefetch = 0 : i64, scratch_operands = 0 : i64, tpu.core_type = #tpu.core_type<tc>} {
    %get3A = arith.constant 0 : index
    %get3A_0 = arith.constant 0 : index
    %get3A_1 = vector.load %arg0[%get3A, %get3A_0] : memref<10000x128xf32, #tpu.memory_space<vmem>>, vector<10000x128xf32>
    %get3A_2 = arith.constant 0 : index
    %get3A_3 = arith.constant 0 : index
    %get3A_4 = vector.load %arg1[%get3A_2, %get3A_3] : memref<128x128xf32, #tpu.memory_space<vmem>>, vector<128x128xf32>
    %dot_general3A = arith.constant dense<0.000000e+00> : vector<10000x128xf32>
    %dot_general3A_5 = tpu.matmul %get3A_1, %get3A_4, %dot_general3A {dimension_numbers = #tpu.dot_dimension_numbers<[1], [0], [0], [1], [0, 0, 1, 1], [], []>, transpose_lhs_hint = false} : vector<10000x128xf32>, vector<128x128xf32>, vector<10000x128xf32> -> vector<10000x128xf32>
    %swap3A = arith.constant 0 : index
    %swap3A_6 = arith.constant 0 : index
    %swap3A_7 = vector.load %arg2[%swap3A, %swap3A_6] : memref<10000x128xf32, #tpu.memory_space<vmem>>, vector<10000x128xf32>
    tpu.vector_store %arg2[%swap3A, %swap3A_6], %dot_general3A_5 {strides = array<i32>} : memref<10000x128xf32, #tpu.memory_space<vmem>>, vector<10000x128xf32>,
    return
  }
}

module attributes {stable_mosaic.version = 14 : i64} {
  func.func @_prep_body(%arg0: memref<2x10000xf32, #tpu.memory_space<vmem>>, %arg1: memref<10000x128xf32, #tpu.memory_space<vmem>>, %arg2: memref<10000x1xf32, #tpu.memory_space<vmem>>, %arg3: memref<10000x128xf32, #tpu.memory_space<vmem>>) attributes {dimension_semantics = [], scalar_prefetch = 0 : i64, scratch_operands = 0 : i64, tpu.core_type = #tpu.core_type<tc>} {
    %get3A = arith.constant 0 : index
    %get3A_0 = arith.constant 0 : index
    %get3A_1 = vector.load %arg0[%get3A, %get3A_0] : memref<2x10000xf32, #tpu.memory_space<vmem>>, vector<1x10000xf32>
    %get3A_2 = vector.shape_cast %get3A_1 : vector<1x10000xf32> to vector<10000xf32>
    %get3A_3 = arith.constant 1 : index
    %get3A_4 = arith.constant 0 : index
    %get3A_5 = vector.load %arg0[%get3A_3, %get3A_4] : memref<2x10000xf32, #tpu.memory_space<vmem>>, vector<1x10000xf32>
    %get3A_6 = vector.shape_cast %get3A_5 : vector<1x10000xf32> to vector<10000xf32>
    %add3A = arith.addf %get3A_2, %get3A_6 : vector<10000xf32>
    %add3A_7 = arith.constant 1.000000e+00 : f32
    %add3A_8 = vector.broadcast %add3A_7 : f32 to vector<10000xf32>
    %add3A_9 = arith.addf %add3A, %add3A_8 : vector<10000xf32>
    %rsqrt3A = math.rsqrt %add3A_9 : vector<10000xf32>
    %broadcast_in_dim3A = vector.shape_cast %rsqrt3A : vector<10000xf32> to vector<10000x1xf32>
    %swap3A = arith.constant 0 : index
    %swap3A_10 = arith.constant 0 : index
    %swap3A_11 = vector.load %arg2[%swap3A, %swap3A_10] : memref<10000x1xf32, #tpu.memory_space<vmem>>, vector<10000x1xf32>
    tpu.vector_store %arg2[%swap3A, %swap3A_10], %broadcast_in_dim3A {strides = array<i32>} : memref<10000x1xf32, #tpu.memory_space<vmem>>, vector<10000x1xf32>,
    %broadcast_in_dim3A_12 = vector.shape_cast %rsqrt3A : vector<10000xf32> to vector<10000x1xf32>
    %get3A_13 = arith.constant 0 : index
    %get3A_14 = arith.constant 0 : index
    %get3A_15 = vector.load %arg1[%get3A_13, %get3A_14] : memref<10000x128xf32, #tpu.memory_space<vmem>>, vector<10000x128xf32>
    %mul3A = vector.broadcast %broadcast_in_dim3A_12 : vector<10000x1xf32> to vector<10000x128xf32>
    %mul3A_16 = arith.mulf %mul3A, %get3A_15 : vector<10000x128xf32>
    %swap3A_17 = arith.constant 0 : index
    %swap3A_18 = arith.constant 0 : index
    %swap3A_19 = vector.load %arg3[%swap3A_17, %swap3A_18] : memref<10000x128xf32, #tpu.memory_space<vmem>>, vector<10000x128xf32>
    tpu.vector_store %arg3[%swap3A_17, %swap3A_18], %mul3A_16 {strides = array<i32>} : memref<10000x128xf32, #tpu.memory_space<vmem>>, vector<10000x128xf32>,
    return
  }
}

module attributes {stable_mosaic.version = 14 : i64} {
  func.func @_gi_body(%arg0: memref<10000x128xf32, #tpu.memory_space<vmem>>, %arg1: memref<10000x128xf32, #tpu.memory_space<vmem>>, %arg2: memref<10000x128xf32, #tpu.memory_space<vmem>>, %arg3: memref<10000x1xf32, #tpu.memory_space<vmem>>, %arg4: memref<1x128xf32, #tpu.memory_space<vmem>>, %arg5: memref<128x384xf32, #tpu.memory_space<vmem>>, %arg6: memref<1x384xf32, #tpu.memory_space<vmem>>, %arg7: memref<1x384xf32, #tpu.memory_space<vmem>>, %arg8: memref<10000x384xf32, #tpu.memory_space<vmem>>) attributes {dimension_semantics = [], scalar_prefetch = 0 : i64, scratch_operands = 0 : i64, tpu.core_type = #tpu.core_type<tc>} {
    %get3A = arith.constant 0 : index
    %get3A_0 = arith.constant 0 : index
    %get3A_1 = vector.load %arg3[%get3A, %get3A_0] : memref<10000x1xf32, #tpu.memory_space<vmem>>, vector<10000x1xf32>
    %get3A_2 = arith.constant 0 : index
    %get3A_3 = arith.constant 0 : index
    %get3A_4 = vector.load %arg0[%get3A_2, %get3A_3] : memref<10000x128xf32, #tpu.memory_space<vmem>>, vector<10000x128xf32>
    %get3A_5 = arith.constant 0 : index
    %get3A_6 = arith.constant 0 : index
    %get3A_7 = vector.load %arg1[%get3A_5, %get3A_6] : memref<10000x128xf32, #tpu.memory_space<vmem>>, vector<10000x128xf32>
    %add3A = arith.addf %get3A_4, %get3A_7 : vector<10000x128xf32>
    %mul3A = vector.broadcast %get3A_1 : vector<10000x1xf32> to vector<10000x128xf32>
    %mul3A_8 = arith.mulf %mul3A, %add3A : vector<10000x128xf32>
    %mul3A_9 = arith.mulf %get3A_1, %get3A_1 : vector<10000x1xf32>
    %get3A_10 = arith.constant 0 : index
    %get3A_11 = arith.constant 0 : index
    %get3A_12 = vector.load %arg2[%get3A_10, %get3A_11] : memref<10000x128xf32, #tpu.memory_space<vmem>>, vector<10000x128xf32>
    %mul3A_13 = vector.broadcast %mul3A_9 : vector<10000x1xf32> to vector<10000x128xf32>
    %mul3A_14 = arith.mulf %mul3A_13, %get3A_12 : vector<10000x128xf32>
    %add3A_15 = arith.addf %mul3A_8, %mul3A_14 : vector<10000x128xf32>
    %get3A_16 = arith.constant 0 : index
    %get3A_17 = arith.constant 0 : index
    %get3A_18 = vector.load %arg4[%get3A_16, %get3A_17] : memref<1x128xf32, #tpu.memory_space<vmem>>, vector<1x128xf32>
    %add3A_19 = vector.broadcast %get3A_18 : vector<1x128xf32> to vector<10000x128xf32>
    %add3A_20 = arith.addf %add3A_15, %add3A_19 : vector<10000x128xf32>
    %max3A = arith.constant 0.000000e+00 : f32
    %max3A_21 = vector.broadcast %max3A : f32 to vector<10000x128xf32>
    %max3A_22 = arith.maximumf %add3A_20, %max3A_21 : vector<10000x128xf32>
    %iota3A = tpu.iota {dimensions = array<i32: 1>} : vector<1x384xi32>
    %lt3A = arith.constant 256 : i32
    %lt3A_23 = vector.broadcast %lt3A : i32 to vector<1x384xi32>
    %lt3A_24 = arith.cmpi slt, %iota3A, %lt3A_23 : vector<1x384xi32>
    %get3A_25 = arith.constant 0 : index
    %get3A_26 = arith.constant 0 : index
    %get3A_27 = vector.load %arg5[%get3A_25, %get3A_26] : memref<128x384xf32, #tpu.memory_space<vmem>>, vector<128x384xf32>
    %dot_general3A = arith.constant dense<0.000000e+00> : vector<10000x384xf32>
    %dot_general3A_28 = tpu.matmul %max3A_22, %get3A_27, %dot_general3A {dimension_numbers = #tpu.dot_dimension_numbers<[1], [0], [0], [1], [0, 0, 1, 1], [], []>, transpose_lhs_hint = false} : vector<10000x128xf32>, vector<128x384xf32>, vector<10000x384xf32> -> vector<10000x384xf32>
    %get3A_29 = arith.constant 0 : index
    %get3A_30 = arith.constant 0 : index
    %get3A_31 = vector.load %arg6[%get3A_29, %get3A_30] : memref<1x384xf32, #tpu.memory_space<vmem>>, vector<1x384xf32>
    %add3A_32 = vector.broadcast %get3A_31 : vector<1x384xf32> to vector<10000x384xf32>
    %add3A_33 = arith.addf %dot_general3A_28, %add3A_32 : vector<10000x384xf32>
    %get3A_34 = arith.constant 0 : index
    %get3A_35 = arith.constant 0 : index
    %get3A_36 = vector.load %arg7[%get3A_34, %get3A_35] : memref<1x384xf32, #tpu.memory_space<vmem>>, vector<1x384xf32>
    %jit3A = arith.constant 0.000000e+00 : f32
    %broadcast_in_dim3A = vector.broadcast %jit3A : f32 to vector<1x384xf32>
    %select_n3A = arith.select %lt3A_24, %get3A_36, %broadcast_in_dim3A : vector<1x384xi1>, vector<1x384xf32>
    %add3A_37 = vector.broadcast %select_n3A : vector<1x384xf32> to vector<10000x384xf32>
    %add3A_38 = arith.addf %add3A_33, %add3A_37 : vector<10000x384xf32>
    %jit3A_39 = arith.constant 5.000000e-01 : f32
    %jit3A_40 = arith.constant 1.000000e+00 : f32
    %broadcast_in_dim3A_41 = vector.broadcast %jit3A_39 : f32 to vector<1x384xf32>
    %broadcast_in_dim3A_42 = vector.broadcast %jit3A_40 : f32 to vector<1x384xf32>
    %select_n3A_43 = arith.select %lt3A_24, %broadcast_in_dim3A_41, %broadcast_in_dim3A_42 : vector<1x384xi1>, vector<1x384xf32>
    %mul3A_44 = vector.broadcast %select_n3A_43 : vector<1x384xf32> to vector<10000x384xf32>
    %mul3A_45 = arith.mulf %add3A_38, %mul3A_44 : vector<10000x384xf32>
    %swap3A = arith.constant 0 : index
    %swap3A_46 = arith.constant 0 : index
    %swap3A_47 = vector.load %arg8[%swap3A, %swap3A_46] : memref<10000x384xf32, #tpu.memory_space<vmem>>, vector<10000x384xf32>
    tpu.vector_store %arg8[%swap3A, %swap3A_46], %mul3A_45 {strides = array<i32>} : memref<10000x384xf32, #tpu.memory_space<vmem>>, vector<10000x384xf32>,
    return
  }
}

module attributes {stable_mosaic.version = 14 : i64} {
  func.func @_gru_body(%arg0: memref<10000x384xf32, #tpu.memory_space<vmem>>, %arg1: memref<128x384xf32, #tpu.memory_space<vmem>>, %arg2: memref<1x384xf32, #tpu.memory_space<vmem>>, %arg3: memref<128x128xf32, #tpu.memory_space<vmem>>, %arg4: memref<1x128xf32, #tpu.memory_space<vmem>>, %arg5: memref<10000x128xf32, #tpu.memory_space<vmem>>, %arg6: memref<1x128xf32, #tpu.memory_space<vmem>>, %arg7: memref<10000x128xf32, #tpu.memory_space<vmem>>) attributes {dimension_semantics = [], scalar_prefetch = 0 : i64, scratch_operands = 1 : i64, tpu.core_type = #tpu.core_type<tc>} {
    %iota3A = tpu.iota {dimensions = array<i32: 1>} : vector<1x384xi32>
    %lt3A = arith.constant 256 : i32
    %lt3A_0 = vector.broadcast %lt3A : i32 to vector<1x384xi32>
    %lt3A_1 = arith.cmpi slt, %iota3A, %lt3A_0 : vector<1x384xi32>
    %jit3A = arith.constant 5.000000e-01 : f32
    %jit3A_2 = arith.constant 1.000000e+00 : f32
    %broadcast_in_dim3A = vector.broadcast %jit3A : f32 to vector<1x384xf32>
    %broadcast_in_dim3A_3 = vector.broadcast %jit3A_2 : f32 to vector<1x384xf32>
    %select_n3A = arith.select %lt3A_1, %broadcast_in_dim3A, %broadcast_in_dim3A_3 : vector<1x384xi1>, vector<1x384xf32>
    %get3A = arith.constant 0 : index
    %get3A_4 = arith.constant 0 : index
    %get3A_5 = vector.load %arg1[%get3A, %get3A_4] : memref<128x384xf32, #tpu.memory_space<vmem>>, vector<128x384xf32>
    %mul3A = vector.broadcast %select_n3A : vector<1x384xf32> to vector<128x384xf32>
    %mul3A_6 = arith.mulf %get3A_5, %mul3A : vector<128x384xf32>
    %get3A_7 = arith.constant 0 : index
    %get3A_8 = arith.constant 0 : index
    %get3A_9 = vector.load %arg2[%get3A_7, %get3A_8] : memref<1x384xf32, #tpu.memory_space<vmem>>, vector<1x384xf32>
    %slice3A = vector.extract_strided_slice %get3A_9 {offsets = [0, 256], sizes = [1, 128], strides = [1, 1]} : vector<1x384xf32> to vector<1x128xf32>
    %broadcast_in_dim3A_10 = arith.constant 0.000000e+00 : f32
    %broadcast_in_dim3A_11 = vector.broadcast %broadcast_in_dim3A_10 : f32 to vector<1x128xf32>
    %scan3A = arith.constant 0 : i32
    %scan3A_12 = arith.constant 2500 : i32
    %scan3A_13 = arith.addi %scan3A, %scan3A_12 : i32
    %scan3A_14 = arith.constant 1 : i32
    %scan3A_15 = scf.for %scan3A_36 = %scan3A to %scan3A_13 step %scan3A_14 iter_args(%scan3A_37 = %broadcast_in_dim3A_11) -> (vector<1x128xf32>)  : i32 {
      %mul3A_38 = arith.constant 4 : i32
      %mul3A_39 = arith.muli %mul3A_38, %scan3A_36 : i32
      %get3A_40 = arith.index_cast %mul3A_39 : i32 to index
      %get3A_41 = arith.constant 0 : index
      %get3A_42 = vector.load %arg0[%get3A_40, %get3A_41] : memref<10000x384xf32, #tpu.memory_space<vmem>>, vector<1x384xf32>
      %dot_general3A_43 = arith.constant dense<0.000000e+00> : vector<1x384xf32>
      %dot_general3A_44 = tpu.matmul %scan3A_37, %mul3A_6, %dot_general3A_43 {dimension_numbers = #tpu.dot_dimension_numbers<[1], [0], [0], [1], [0, 0, 1, 1], [], []>, transpose_lhs_hint = false} : vector<1x128xf32>, vector<128x384xf32>, vector<1x384xf32> -> vector<1x384xf32>
      %slice3A_45 = vector.extract_strided_slice %get3A_42 {offsets = [0, 0], sizes = [1, 256], strides = [1, 1]} : vector<1x384xf32> to vector<1x256xf32>
      %slice3A_46 = vector.extract_strided_slice %dot_general3A_44 {offsets = [0, 0], sizes = [1, 256], strides = [1, 1]} : vector<1x384xf32> to vector<1x256xf32>
      %add3A_47 = arith.addf %slice3A_45, %slice3A_46 : vector<1x256xf32>
      %tanh3A = math.tanh %add3A_47 : vector<1x256xf32>
      %slice3A_48 = vector.extract_strided_slice %tanh3A {offsets = [0, 0], sizes = [1, 128], strides = [1, 1]} : vector<1x256xf32> to vector<1x128xf32>
      %mul3A_49 = arith.constant 5.000000e-01 : f32
      %mul3A_50 = vector.broadcast %mul3A_49 : f32 to vector<1x128xf32>
      %mul3A_51 = arith.mulf %mul3A_50, %slice3A_48 : vector<1x128xf32>
      %add3A_52 = arith.constant 5.000000e-01 : f32
      %add3A_53 = vector.broadcast %add3A_52 : f32 to vector<1x128xf32>
      %add3A_54 = arith.addf %add3A_53, %mul3A_51 : vector<1x128xf32>
      %slice3A_55 = vector.extract_strided_slice %tanh3A {offsets = [0, 128], sizes = [1, 128], strides = [1, 1]} : vector<1x256xf32> to vector<1x128xf32>
      %mul3A_56 = arith.constant 5.000000e-01 : f32
      %mul3A_57 = vector.broadcast %mul3A_56 : f32 to vector<1x128xf32>
      %mul3A_58 = arith.mulf %mul3A_57, %slice3A_55 : vector<1x128xf32>
      %add3A_59 = arith.constant 5.000000e-01 : f32
      %add3A_60 = vector.broadcast %add3A_59 : f32 to vector<1x128xf32>
      %add3A_61 = arith.addf %add3A_60, %mul3A_58 : vector<1x128xf32>
      %slice3A_62 = vector.extract_strided_slice %get3A_42 {offsets = [0, 256], sizes = [1, 128], strides = [1, 1]} : vector<1x384xf32> to vector<1x128xf32>
      %slice3A_63 = vector.extract_strided_slice %dot_general3A_44 {offsets = [0, 256], sizes = [1, 128], strides = [1, 1]} : vector<1x384xf32> to vector<1x128xf32>
      %add3A_64 = arith.addf %slice3A_63, %slice3A : vector<1x128xf32>
      %mul3A_65 = arith.mulf %add3A_54, %add3A_64 : vector<1x128xf32>
      %add3A_66 = arith.addf %slice3A_62, %mul3A_65 : vector<1x128xf32>
      %tanh3A_67 = math.tanh %add3A_66 : vector<1x128xf32>
      %sub3A = arith.subf %scan3A_37, %tanh3A_67 : vector<1x128xf32>
      %mul3A_68 = arith.mulf %add3A_61, %sub3A : vector<1x128xf32>
      %add3A_69 = arith.addf %tanh3A_67, %mul3A_68 : vector<1x128xf32>
      %swap3A_70 = arith.index_cast %mul3A_39 : i32 to index
      %swap3A_71 = arith.constant 0 : index
      %swap3A_72 = vector.load %arg7[%swap3A_70, %swap3A_71] : memref<10000x128xf32, #tpu.memory_space<vmem>>, vector<1x128xf32>
      tpu.vector_store %arg7[%swap3A_70, %swap3A_71], %add3A_69 {strides = array<i32>} : memref<10000x128xf32, #tpu.memory_space<vmem>>, vector<1x128xf32>,
      %mul3A_73 = arith.constant 4 : i32
      %mul3A_74 = arith.muli %mul3A_73, %scan3A_36 : i32
      %add3A_75 = arith.constant 1 : i32
      %add3A_76 = arith.addi %mul3A_74, %add3A_75 : i32
      %get3A_77 = arith.index_cast %add3A_76 : i32 to index
      %get3A_78 = arith.constant 0 : index
      %get3A_79 = vector.load %arg0[%get3A_77, %get3A_78] : memref<10000x384xf32, #tpu.memory_space<vmem>>, vector<1x384xf32>
      %dot_general3A_80 = arith.constant dense<0.000000e+00> : vector<1x384xf32>
      %dot_general3A_81 = tpu.matmul %add3A_69, %mul3A_6, %dot_general3A_80 {dimension_numbers = #tpu.dot_dimension_numbers<[1], [0], [0], [1], [0, 0, 1, 1], [], []>, transpose_lhs_hint = false} : vector<1x128xf32>, vector<128x384xf32>, vector<1x384xf32> -> vector<1x384xf32>
      %slice3A_82 = vector.extract_strided_slice %get3A_79 {offsets = [0, 0], sizes = [1, 256], strides = [1, 1]} : vector<1x384xf32> to vector<1x256xf32>
      %slice3A_83 = vector.extract_strided_slice %dot_general3A_81 {offsets = [0, 0], sizes = [1, 256], strides = [1, 1]} : vector<1x384xf32> to vector<1x256xf32>
      %add3A_84 = arith.addf %slice3A_82, %slice3A_83 : vector<1x256xf32>
      %tanh3A_85 = math.tanh %add3A_84 : vector<1x256xf32>
      %slice3A_86 = vector.extract_strided_slice %tanh3A_85 {offsets = [0, 0], sizes = [1, 128], strides = [1, 1]} : vector<1x256xf32> to vector<1x128xf32>
      %mul3A_87 = arith.constant 5.000000e-01 : f32
      %mul3A_88 = vector.broadcast %mul3A_87 : f32 to vector<1x128xf32>
      %mul3A_89 = arith.mulf %mul3A_88, %slice3A_86 : vector<1x128xf32>
      %add3A_90 = arith.constant 5.000000e-01 : f32
      %add3A_91 = vector.broadcast %add3A_90 : f32 to vector<1x128xf32>
      %add3A_92 = arith.addf %add3A_91, %mul3A_89 : vector<1x128xf32>
      %slice3A_93 = vector.extract_strided_slice %tanh3A_85 {offsets = [0, 128], sizes = [1, 128], strides = [1, 1]} : vector<1x256xf32> to vector<1x128xf32>
      %mul3A_94 = arith.constant 5.000000e-01 : f32
      %mul3A_95 = vector.broadcast %mul3A_94 : f32 to vector<1x128xf32>
      %mul3A_96 = arith.mulf %mul3A_95, %slice3A_93 : vector<1x128xf32>
      %add3A_97 = arith.constant 5.000000e-01 : f32
      %add3A_98 = vector.broadcast %add3A_97 : f32 to vector<1x128xf32>
      %add3A_99 = arith.addf %add3A_98, %mul3A_96 : vector<1x128xf32>
      %slice3A_100 = vector.extract_strided_slice %get3A_79 {offsets = [0, 256], sizes = [1, 128], strides = [1, 1]} : vector<1x384xf32> to vector<1x128xf32>
      %slice3A_101 = vector.extract_strided_slice %dot_general3A_81 {offsets = [0, 256], sizes = [1, 128], strides = [1, 1]} : vector<1x384xf32> to vector<1x128xf32>
      %add3A_102 = arith.addf %slice3A_101, %slice3A : vector<1x128xf32>
      %mul3A_103 = arith.mulf %add3A_92, %add3A_102 : vector<1x128xf32>
      %add3A_104 = arith.addf %slice3A_100, %mul3A_103 : vector<1x128xf32>
      %tanh3A_105 = math.tanh %add3A_104 : vector<1x128xf32>
      %sub3A_106 = arith.subf %add3A_69, %tanh3A_105 : vector<1x128xf32>
      %mul3A_107 = arith.mulf %add3A_99, %sub3A_106 : vector<1x128xf32>
      %add3A_108 = arith.addf %tanh3A_105, %mul3A_107 : vector<1x128xf32>
      %swap3A_109 = arith.index_cast %add3A_76 : i32 to index
      %swap3A_110 = arith.constant 0 : index
      %swap3A_111 = vector.load %arg7[%swap3A_109, %swap3A_110] : memref<10000x128xf32, #tpu.memory_space<vmem>>, vector<1x128xf32>
      tpu.vector_store %arg7[%swap3A_109, %swap3A_110], %add3A_108 {strides = array<i32>} : memref<10000x128xf32, #tpu.memory_space<vmem>>, vector<1x128xf32>,
      %mul3A_112 = arith.constant 4 : i32
      %mul3A_113 = arith.muli %mul3A_112, %scan3A_36 : i32
      %add3A_114 = arith.constant 2 : i32
      %add3A_115 = arith.addi %mul3A_113, %add3A_114 : i32
      %get3A_116 = arith.index_cast %add3A_115 : i32 to index
      %get3A_117 = arith.constant 0 : index
      %get3A_118 = vector.load %arg0[%get3A_116, %get3A_117] : memref<10000x384xf32, #tpu.memory_space<vmem>>, vector<1x384xf32>
      %dot_general3A_119 = arith.constant dense<0.000000e+00> : vector<1x384xf32>
      %dot_general3A_120 = tpu.matmul %add3A_108, %mul3A_6, %dot_general3A_119 {dimension_numbers = #tpu.dot_dimension_numbers<[1], [0], [0], [1], [0, 0, 1, 1], [], []>, transpose_lhs_hint = false} : vector<1x128xf32>, vector<128x384xf32>, vector<1x384xf32> -> vector<1x384xf32>
      %slice3A_121 = vector.extract_strided_slice %get3A_118 {offsets = [0, 0], sizes = [1, 256], strides = [1, 1]} : vector<1x384xf32> to vector<1x256xf32>
      %slice3A_122 = vector.extract_strided_slice %dot_general3A_120 {offsets = [0, 0], sizes = [1, 256], strides = [1, 1]} : vector<1x384xf32> to vector<1x256xf32>
      %add3A_123 = arith.addf %slice3A_121, %slice3A_122 : vector<1x256xf32>
      %tanh3A_124 = math.tanh %add3A_123 : vector<1x256xf32>
      %slice3A_125 = vector.extract_strided_slice %tanh3A_124 {offsets = [0, 0], sizes = [1, 128], strides = [1, 1]} : vector<1x256xf32> to vector<1x128xf32>
      %mul3A_126 = arith.constant 5.000000e-01 : f32
      %mul3A_127 = vector.broadcast %mul3A_126 : f32 to vector<1x128xf32>
      %mul3A_128 = arith.mulf %mul3A_127, %slice3A_125 : vector<1x128xf32>
      %add3A_129 = arith.constant 5.000000e-01 : f32
      %add3A_130 = vector.broadcast %add3A_129 : f32 to vector<1x128xf32>
      %add3A_131 = arith.addf %add3A_130, %mul3A_128 : vector<1x128xf32>
      %slice3A_132 = vector.extract_strided_slice %tanh3A_124 {offsets = [0, 128], sizes = [1, 128], strides = [1, 1]} : vector<1x256xf32> to vector<1x128xf32>
      %mul3A_133 = arith.constant 5.000000e-01 : f32
      %mul3A_134 = vector.broadcast %mul3A_133 : f32 to vector<1x128xf32>
      %mul3A_135 = arith.mulf %mul3A_134, %slice3A_132 : vector<1x128xf32>
      %add3A_136 = arith.constant 5.000000e-01 : f32
      %add3A_137 = vector.broadcast %add3A_136 : f32 to vector<1x128xf32>
      %add3A_138 = arith.addf %add3A_137, %mul3A_135 : vector<1x128xf32>
      %slice3A_139 = vector.extract_strided_slice %get3A_118 {offsets = [0, 256], sizes = [1, 128], strides = [1, 1]} : vector<1x384xf32> to vector<1x128xf32>
      %slice3A_140 = vector.extract_strided_slice %dot_general3A_120 {offsets = [0, 256], sizes = [1, 128], strides = [1, 1]} : vector<1x384xf32> to vector<1x128xf32>
      %add3A_141 = arith.addf %slice3A_140, %slice3A : vector<1x128xf32>
      %mul3A_142 = arith.mulf %add3A_131, %add3A_141 : vector<1x128xf32>
      %add3A_143 = arith.addf %slice3A_139, %mul3A_142 : vector<1x128xf32>
      %tanh3A_144 = math.tanh %add3A_143 : vector<1x128xf32>
      %sub3A_145 = arith.subf %add3A_108, %tanh3A_144 : vector<1x128xf32>
      %mul3A_146 = arith.mulf %add3A_138, %sub3A_145 : vector<1x128xf32>
      %add3A_147 = arith.addf %tanh3A_144, %mul3A_146 : vector<1x128xf32>
      %swap3A_148 = arith.index_cast %add3A_115 : i32 to index
      %swap3A_149 = arith.constant 0 : index
      %swap3A_150 = vector.load %arg7[%swap3A_148, %swap3A_149] : memref<10000x128xf32, #tpu.memory_space<vmem>>, vector<1x128xf32>
      tpu.vector_store %arg7[%swap3A_148, %swap3A_149], %add3A_147 {strides = array<i32>} : memref<10000x128xf32, #tpu.memory_space<vmem>>, vector<1x128xf32>,
      %mul3A_151 = arith.constant 4 : i32
      %mul3A_152 = arith.muli %mul3A_151, %scan3A_36 : i32
      %add3A_153 = arith.constant 3 : i32
      %add3A_154 = arith.addi %mul3A_152, %add3A_153 : i32
      %get3A_155 = arith.index_cast %add3A_154 : i32 to index
      %get3A_156 = arith.constant 0 : index
      %get3A_157 = vector.load %arg0[%get3A_155, %get3A_156] : memref<10000x384xf32, #tpu.memory_space<vmem>>, vector<1x384xf32>
      %dot_general3A_158 = arith.constant dense<0.000000e+00> : vector<1x384xf32>
      %dot_general3A_159 = tpu.matmul %add3A_147, %mul3A_6, %dot_general3A_158 {dimension_numbers = #tpu.dot_dimension_numbers<[1], [0], [0], [1], [0, 0, 1, 1], [], []>, transpose_lhs_hint = false} : vector<1x128xf32>, vector<128x384xf32>, vector<1x384xf32> -> vector<1x384xf32>
      %slice3A_160 = vector.extract_strided_slice %get3A_157 {offsets = [0, 0], sizes = [1, 256], strides = [1, 1]} : vector<1x384xf32> to vector<1x256xf32>
      %slice3A_161 = vector.extract_strided_slice %dot_general3A_159 {offsets = [0, 0], sizes = [1, 256], strides = [1, 1]} : vector<1x384xf32> to vector<1x256xf32>
      %add3A_162 = arith.addf %slice3A_160, %slice3A_161 : vector<1x256xf32>
      %tanh3A_163 = math.tanh %add3A_162 : vector<1x256xf32>
      %slice3A_164 = vector.extract_strided_slice %tanh3A_163 {offsets = [0, 0], sizes = [1, 128], strides = [1, 1]} : vector<1x256xf32> to vector<1x128xf32>
      %mul3A_165 = arith.constant 5.000000e-01 : f32
      %mul3A_166 = vector.broadcast %mul3A_165 : f32 to vector<1x128xf32>
      %mul3A_167 = arith.mulf %mul3A_166, %slice3A_164 : vector<1x128xf32>
      %add3A_168 = arith.constant 5.000000e-01 : f32
      %add3A_169 = vector.broadcast %add3A_168 : f32 to vector<1x128xf32>
      %add3A_170 = arith.addf %add3A_169, %mul3A_167 : vector<1x128xf32>
      %slice3A_171 = vector.extract_strided_slice %tanh3A_163 {offsets = [0, 128], sizes = [1, 128], strides = [1, 1]} : vector<1x256xf32> to vector<1x128xf32>
      %mul3A_172 = arith.constant 5.000000e-01 : f32
      %mul3A_173 = vector.broadcast %mul3A_172 : f32 to vector<1x128xf32>
      %mul3A_174 = arith.mulf %mul3A_173, %slice3A_171 : vector<1x128xf32>
      %add3A_175 = arith.constant 5.000000e-01 : f32
      %add3A_176 = vector.broadcast %add3A_175 : f32 to vector<1x128xf32>
      %add3A_177 = arith.addf %add3A_176, %mul3A_174 : vector<1x128xf32>
      %slice3A_178 = vector.extract_strided_slice %get3A_157 {offsets = [0, 256], sizes = [1, 128], strides = [1, 1]} : vector<1x384xf32> to vector<1x128xf32>
      %slice3A_179 = vector.extract_strided_slice %dot_general3A_159 {offsets = [0, 256], sizes = [1, 128], strides = [1, 1]} : vector<1x384xf32> to vector<1x128xf32>
      %add3A_180 = arith.addf %slice3A_179, %slice3A : vector<1x128xf32>
      %mul3A_181 = arith.mulf %add3A_170, %add3A_180 : vector<1x128xf32>
      %add3A_182 = arith.addf %slice3A_178, %mul3A_181 : vector<1x128xf32>
      %tanh3A_183 = math.tanh %add3A_182 : vector<1x128xf32>
      %sub3A_184 = arith.subf %add3A_147, %tanh3A_183 : vector<1x128xf32>
      %mul3A_185 = arith.mulf %add3A_177, %sub3A_184 : vector<1x128xf32>
      %add3A_186 = arith.addf %tanh3A_183, %mul3A_185 : vector<1x128xf32>
      %swap3A_187 = arith.index_cast %add3A_154 : i32 to index
      %swap3A_188 = arith.constant 0 : index
      %swap3A_189 = vector.load %arg7[%swap3A_187, %swap3A_188] : memref<10000x128xf32, #tpu.memory_space<vmem>>, vector<1x128xf32>
      tpu.vector_store %arg7[%swap3A_187, %swap3A_188], %add3A_186 {strides = array<i32>} : memref<10000x128xf32, #tpu.memory_space<vmem>>, vector<1x128xf32>,
      scf.yield %add3A_186 : vector<1x128xf32>
    }
    %scan3A_16 = arith.constant 2500 : i32
    %swap3A = arith.constant 0 : index
    %swap3A_17 = arith.constant 0 : index
    %swap3A_18 = vector.load %arg6[%swap3A, %swap3A_17] : memref<1x128xf32, #tpu.memory_space<vmem>>, vector<1x128xf32>
    tpu.vector_store %arg6[%swap3A, %swap3A_17], %scan3A_15 {strides = array<i32>} : memref<1x128xf32, #tpu.memory_space<vmem>>, vector<1x128xf32>,
    %get3A_19 = arith.constant 0 : index
    %get3A_20 = arith.constant 0 : index
    %get3A_21 = vector.load %arg7[%get3A_19, %get3A_20] : memref<10000x128xf32, #tpu.memory_space<vmem>>, vector<10000x128xf32>
    %get3A_22 = arith.constant 0 : index
    %get3A_23 = arith.constant 0 : index
    %get3A_24 = vector.load %arg3[%get3A_22, %get3A_23] : memref<128x128xf32, #tpu.memory_space<vmem>>, vector<128x128xf32>
    %dot_general3A = arith.constant dense<0.000000e+00> : vector<10000x128xf32>
    %dot_general3A_25 = tpu.matmul %get3A_21, %get3A_24, %dot_general3A {dimension_numbers = #tpu.dot_dimension_numbers<[1], [0], [0], [1], [0, 0, 1, 1], [], []>, transpose_lhs_hint = false} : vector<10000x128xf32>, vector<128x128xf32>, vector<10000x128xf32> -> vector<10000x128xf32>
    %get3A_26 = arith.constant 0 : index
    %get3A_27 = arith.constant 0 : index
    %get3A_28 = vector.load %arg4[%get3A_26, %get3A_27] : memref<1x128xf32, #tpu.memory_space<vmem>>, vector<1x128xf32>
    %add3A = vector.broadcast %get3A_28 : vector<1x128xf32> to vector<10000x128xf32>
    %add3A_29 = arith.addf %dot_general3A_25, %add3A : vector<10000x128xf32>
    %mul3A_30 = arith.constant 5.000000e-01 : f32
    %mul3A_31 = vector.broadcast %mul3A_30 : f32 to vector<10000x128xf32>
    %mul3A_32 = arith.mulf %mul3A_31, %add3A_29 : vector<10000x128xf32>
    %swap3A_33 = arith.constant 0 : index
    %swap3A_34 = arith.constant 0 : index
    %swap3A_35 = vector.load %arg5[%swap3A_33, %swap3A_34] : memref<10000x128xf32, #tpu.memory_space<vmem>>, vector<10000x128xf32>
    tpu.vector_store %arg5[%swap3A_33, %swap3A_34], %mul3A_32 {strides = array<i32>} : memref<10000x128xf32, #tpu.memory_space<vmem>>, vector<10000x128xf32>,
    return
  }
}

</mosaic_0001>

<sc_bundles>
// kernel: kernel.12.cloned.1.call-start
scs
__scs_entry_jumppad:
0x0: {  	(pc) =	sbr.rel $0x88, $3  }
0x1: {  	(tag) =	ssettag $0x0;
	lr =	simm.s32 $0x1  }
0x2: {  	[smem:$0x3F97] =	sst lr;
	_ =	strace $0xD0000000  }
0x3: {  	_ = 	snop  }
0x4: {  	_ = 	snop  }
0x5: {  	_ = 	snop  }
0x6: {  	_ = 	snop  }
0x7: {  	_ = 	snop  }
__scs_overlays_trampoline_lowered:
0x8: {  	[smem:$0x3FA6] =	sst s0  }
0x9: {  	[smem:$0x3FA7] =	sst s1  }
0xa: {  	[smem:$0x3FA8] =	sst s2  }
0xb: {  	[smem:$0x3FA9] =	sst s3  }
0xc: {  	[smem:$0x3FAA] =	sst s4  }
0xd: {  	[smem:$0x3FAB] =	sst s5  }
0xe: {  	[smem:$0x3FAC] =	sst s6  }
0xf: {  	[smem:$0x3FAD] =	sst s7  }
0x10: {  	[smem:$0x3FAE] =	sst s8  }
0x11: {  	[smem:$0x3FAF] =	sst s9;
	s0 =	simm.s32 @!p0 $0x0  }
0x12: {  	s1 =	sld [smem:$0x3F95];
	s0 =	simm.s32 @p0 $0x1  }
0x13: {  	[smem:$0x3FB0] =	sst s0;
	s0 =	simm.s32 @!p1 $0x0  }
0x14: {  	s2 =	sld [smem:$0x3F94];
	s0 =	simm.s32 @p1 $0x1  }
0x15: {  	[smem:$0x3FB1] =	sst s0;
	s0 =	simm.s32 @!p2 $0x0  }
0x16: {  	s3 =	sld [smem:$0x3FDB];
	s0 =	simm.s32 @p2 $0x1  }
0x17: {  	s4 =	simm.s32 $0x1BF5;
	[smem:$0x3FB3] =	sst s0  }
0x18: {  	s0 =	sld [smem:$0x3F96];
	_ =	swait.ge [sflag:s4], $0x0  }
0x19: {  	s7 =	sld [smem:$0x3F97]  }
0x1a: {  	s8 =	sadd.s32 $0xFFFFE003, lr  }
0x1b: {  	s9 =	sadd.s32 $0xFFFFFEF7, lr;
	s5 =	simm.s32 $0xFFFFFFFF;
	p2 =	slt.u32 s8, $0xFFFFF086  }
0x1c: {  	p1 =	slt.u32 s9, $0xF7A;
	s5 =	simm.s32 @!p2 $0x0  }
0x1d: {  	s5 =	simm.s32 @p1 $0x1;
	p0 =	seq.s32 s7, s2  }
0x1e: {  	s7 =	smul.u32 @!p0 $0xF7A, s2;
	p2 =	seq.s32 @!p0 s5, $0x0  }
0x1f: {  	s9 =	smul.u32 $0xF7A, s1;
	s8 =	simm.s32 @!p0 $0x1BF5;
	p2 =	por !p2, p0  }
0x20: {  	[sflag:s8] =	ssyncset.s32 @!p0 $0xFFFFF086;
	s6 =	sadd.s32 @!p0 s3, s7;
	s7 =	simm.s32 @!p0 $0x108  }
0x21: {  	s3 =	sadd.s32 s3, s9;
	s6 =	sadd.s32 @!p0 $0x88, s6;
	s7 =	simm.s32 @p2 $0x1082  }
0x22: {  	[simem:s7], [sflag:s8] =	dma.local @!p0 [hbm:s6], $0xF7A  }
0x23: {  	s9 =	sor.u32 $0xD0000000, s2;
	s6 =	simm.s32 $0x108;
	_ =	swait.ge @!p0 [sflag:s8], $0x0  }
0x24: {  	s3 =	sadd.s32 $0x88, s3;
	s6 =	simm.s32 @!p1 $0x1082;
	[sflag:s4] =	ssyncset.s32 $0xFFFFF086  }
0x25: {  	[simem:s6], [sflag:s4] =	dma.local [hbm:s3], $0xF7A  }
0x26: {  	[smem:$0x3F97] =	sst s1;
	(tag) =	ssettag s2;
	_ =	strace s9  }
0x27: {  	s1 =	sld [smem:$0x3FA7]  }
0x28: {  	s2 =	sld [smem:$0x3FA8]  }
0x29: {  	s4 =	sld [smem:$0x3FAA]  }
0x2a: {  	p0 =	seq.s32 s5, $0x0;
	s5 =	sld [smem:$0x3FAB]  }
0x2b: {  	s6 =	sld [smem:$0x3FAC]  }
0x2c: {  	s7 =	sld [smem:$0x3FAD]  }
0x2d: {  	s3 =	simm.s32 $0x108;
	s8 =	sld [smem:$0x3FAE]  }
0x2e: {  	s3 =	simm.s32 @!p0 $0x1082;
	s9 =	sld [smem:$0x3FAF]  }
0x2f: {  	lr =	sadd.s32 s0, s3;
	s0 =	sld [smem:$0x3FA6]  }
0x30: {  	s3 =	sld [smem:$0x3FA9]  }
0x31: {  	[smem:$0x3FB2] =	sst s10  }
0x32: {  	s10 =	sld [smem:$0x3FB0];
	_ =	sdelay $0x3  }
0x33: {  	p0 =	seq.s32 s10, $0x1;
	s10 =	sld [smem:$0x3FB2];
	_ =	sdelay $0x3  }
0x34: {  	[smem:$0x3FB2] =	sst s10  }
0x35: {  	s10 =	sld [smem:$0x3FB1];
	_ =	sdelay $0x3  }
0x36: {  	p1 =	seq.s32 s10, $0x1;
	s10 =	sld [smem:$0x3FB2];
	_ =	sdelay $0x3  }
0x37: {  	[smem:$0x3FB2] =	sst s10  }
0x38: {  	s10 =	sld [smem:$0x3FB3]  }
0x39: {  	_ = 	snop;
	(pc) =	sbr.ind lr, $3  }
0x3a: {  	_ = 	snop  }
0x3b: {  	_ = 	snop  }
0x3c: {  	p2 =	seq.s32 s10, $0x1;
	s10 =	sld [smem:$0x3FB2]  }
0x3d: {  	_ =	shalt  }
0x3e: {  	_ =	shalt  }
0x3f: {  	_ =	shalt  }
0x40: {  	_ =	shalt  }
0x41: {  	_ =	shalt  }
0x42: {  	_ =	shalt  }
0x43: {  	_ =	shalt  }
0x44: {  	_ =	shalt  }
0x45: {  	_ =	shalt  }
0x46: {  	_ =	shalt  }
0x47: {  	_ =	shalt  }
0x48: {  	_ =	shalt  }
0x49: {  	_ =	shalt  }
0x4a: {  	_ =	shalt  }
0x4b: {  	_ =	shalt  }
0x4c: {  	_ =	shalt  }
0x4d: {  	_ =	shalt  }
0x4e: {  	_ =	shalt  }
0x4f: {  	_ =	shalt  }
0x50: {  	_ =	shalt  }
0x51: {  	_ =	shalt  }
0x52: {  	_ =	shalt  }
0x53: {  	_ =	shalt  }
0x54: {  	_ =	shalt  }
0x55: {  	_ =	shalt  }
0x56: {  	_ =	shalt  }
0x57: {  	_ =	shalt  }
0x58: {  	_ =	shalt  }
0x59: {  	_ =	shalt  }
0x5a: {  	_ =	shalt  }
0x5b: {  	_ =	shalt  }
0x5c: {  	_ =	shalt  }
0x5d: {  	_ =	shalt  }
0x5e: {  	_ =	shalt  }
0x5f: {  	_ =	shalt  }
0x60: {  	_ =	shalt  }
0x61: {  	_ =	shalt  }
0x62: {  	_ =	shalt  }
0x63: {  	_ =	shalt  }
0x64: {  	_ =	shalt  }
0x65: {  	_ =	shalt  }
0x66: {  	_ =	shalt  }
0x67: {  	_ =	shalt  }
0x68: {  	_ =	shalt  }
0x69: {  	_ =	shalt  }
0x6a: {  	_ =	shalt  }
0x6b: {  	_ =	shalt  }
0x6c: {  	_ =	shalt  }
0x6d: {  	_ =	shalt  }
0x6e: {  	_ =	shalt  }
0x6f: {  	_ =	shalt  }
0x70: {  	_ =	shalt  }
0x71: {  	_ =	shalt  }
0x72: {  	_ =	shalt  }
0x73: {  	_ =	shalt  }
0x74: {  	_ =	shalt  }
0x75: {  	_ =	shalt  }
0x76: {  	_ =	shalt  }
0x77: {  	_ =	shalt  }
0x78: {  	_ =	shalt  }
0x79: {  	_ =	shalt  }
0x7a: {  	_ =	shalt  }
0x7b: {  	_ =	shalt  }
0x7c: {  	_ =	shalt  }
0x7d: {  	_ =	shalt  }
0x7e: {  	_ =	shalt  }
0x7f: {  	_ =	shalt  }
0x80: {  	_ =	shalt  }
0x81: {  	_ =	shalt  }
0x82: {  	_ =	shalt  }
0x83: {  	_ =	shalt  }
0x84: {  	_ =	shalt  }
0x85: {  	_ =	shalt  }
0x86: {  	_ =	shalt  }
0x87: {  	_ =	shalt  }
.Lfunc_end0:
.L_simem_size_0:
called_computation.1_lowered:
.L_overlay_start_0:
0x88: {  	s2 =	sld [smem:$0x3FD9]  }
0x89: {  	s3 =	sld [smem:$0x3FFE];
	_ =	sdelay $0x1  }
0x8a: {  	s1 =	srdreg.scid  }
0x8b: {  	s0 =	sand.u32 $0x1, s1  }
0x8c: {  	s14 =	sshll.u32 s0, $0xA;
	s2 =	sadd.s32 s3, s2  }
0x8d: {  	s2 =	sadd.s32 s2, s14  }
0x8e: {  	[smem:$0x3FBE] =	sst s2  }
0x8f: {  	_ = 	snop  }
0x90: {  	s2 =	sld [smem:$0x3FD0];
	_ =	sdelay $0x2  }
0x91: {  	s15 =	simm.s32 $0xA;
	s4 =	simm.s32 $0x10  }
0x92: {  	[smem:s4], [sflag:s15] =	dma.local [hbm:s2], $0x1  }
0x93: {  	_ =	swait.eq [sflag:s15], $0x1  }
0x94: {  	[sflag:s15] =	ssyncset.done $0x0  }
0x95: {  	[sflag:s15] =	ssyncadd.s32 $0xFFFFFFFF  }
0x96: {  	s16 =	sld [smem:$0x10];
	(tm) =	ssettm $0x1  }
0x97: {  	s17 =	sld [smem:$0x3FFB];
	_ =	sdelay $0x3  }
0x98: {  	_ =	strace s17  }
0x99: {  	s3 =	sld [smem:$0x3FFC];
	_ =	sdelay $0x3  }
0x9a: {  	_ =	strace s3  }
0x9b: {  	s3 =	sld [smem:$0x3FFD];
	_ =	sdelay $0x3  }
0x9c: {  	_ =	strace s3  }
0x9d: {  	_ =	strace $0x8FFFFFFF  }
0x9e: {  	s18 =	sld [smem:$0x3FDB];
	_ =	sdelay $0x1  }
0x9f: {  	s19 =	simm.s32 $_scs_section_size  }
0xa0: {  	s5 =	simm.s32 $_size__tile_overlayer_lowered;
	s6 =	simm.s32 $_tile_overlayer_lowered  }
0xa1: {  	s22 =	simm.s32 $0x1BFF;
	s21 =	sshll.u32 s6, $0x1;
	s3 =	sadd.s32 s19, s18  }
0xa2: {  	s7 =	simm.s32 $0x0;
	s20 =	sshll.u32 s5, $0x1;
	s5 =	sadd.s32 s21, s3  }
0xa3: {  	[timem:s7], [sflag:s22] =	dma.local [hbm:s5], s20  }
0xa4: {  	_ =	swait.ge [sflag:s22], s20  }
0xa5: {  	s4 =	ssub.s32 $0x0, s20;
	[sflag:s22] =	ssyncset.done $0x0  }
0xa6: {  	[sflag:s22] =	ssyncadd.s32 s4;
	_ =	sdelay $0x1  }
0xa7: {  	s23 =	simm.s32 $0x1B8B  }
0xa8: {  	_ =	swait.ge [sflag:s23], $0x1  }
0xa9: {  	[sflag:s23] =	ssyncset.done $0x0  }
0xaa: {  	s25 =	simm.s32 $0x1B8E;
	s24 =	sld [smem:$0x3FFE];
	[sflag:s23] =	ssyncadd.s32 $0xFFFFFFFF  }
0xab: {  	s26 =	simm.s32 $execute0_lowered;
	[smem:$0x3FD2] =	sst s25  }
0xac: {  	s5 =	sshll.u32 s26, $0x1;
	_ =	strace $0x80000049;
	[dreg:$0x1] =	wrdreg $0xFFFFFFFF  }
0xad: {  	s28 =	simm.s32 $_size_execute0_lowered;
	s3 =	sadd.s32 s3, s5;
	[dreg:$0x0] =	wrdreg $0x0  }
0xae: {  	s5 =	sshll.u32 s28, $0x1;
	[dreg:$0x2] =	wrdreg s3  }
0xaf: {  	[dreg:$0x3] =	wrdreg s5  }
0xb0: {  	[dreg:$0x4] =	wrdreg $0xC0  }
0xb1: {  	_ =	task [dreg:s7], $0x5FFFF  }
0xb2: {  	[dreg:$0x1] =	wrdreg $0xFFFFFFFF  }
0xb3: {  	[dreg:$0x0] =	wrdreg $0x60  }
0xb4: {  	[dreg:$0x2] =	wrdreg s24  }
0xb5: {  	[dreg:$0x3] =	wrdreg s16  }
0xb6: {  	[dreg:$0x4] =	wrdreg $0x90000  }
0xb7: {  	[dreg:$0x5] =	wrdreg $0x9  }
0xb8: {  	_ =	task.clear_ibuf [dreg:s7], $0x6FFFF;
	_ =	strace $0x90000049  }
0xb9: {  	s29 =	simm.s32 $0x9;
	_ =	strace $0x8000004B  }
0xba: {  	_ =	swait.ge [sflag:s29], $0x1  }
0xbb: {  	[sflag:s29] =	ssyncadd.s32 $0xFFFFFFFF  }
0xbc: {  	_ =	strace $0x9000004B  }
0xbd: {  	_ =	sfence  }
0xbe: {  	s30 =	sld [smem:$0x0];
	_ =	sdelay $0x2  }
0xbf: {  	s31 =	sshll.u32 s1, $0xD;
	s1 =	sshrl.u32 s1, $0x2  }
0xc0: {  	s3 =	sand.u32 $0x4000, s31;
	s1 =	sadd.s32 s1, s30  }
0xc1: {  	s0 =	sor.u32 s3, s0;
	s1 =	sshll.u32 s1, $0x11  }
0xc2: {  	s0 =	sor.u32 s1, s0  }
0xc3: {  	s0 =	sadd.s32 $0x8F2B, s0  }
0xc4: {  	[sflag:s0] =	ssyncadd.remote.s32 $0x1  }
0xc5: {  	_ =	sfence.sel $0xFFFF  }
0xc6: {  	[dreg:$0x0] =	wrdreg $0xFFFFFFFF;
	(pc) =	sbr.abs _section_cstart, $3  }
0xc7: {  	[dreg:$0x1] =	wrdreg $0xFFFFFFFF  }
0xc8: {  	_ =	task.clear_ibuf [dreg:s7], $0x2FFFF;
	_ =	strace $0x9FFFFFFF  }
0xc9: {  	(tm) =	ssettm $0x7FFFFFFF  }
tec
execute0_lowered:
.L_overlay_start_1:
0x0: {  	(tag) =	ssettag $0x1  }
0x1: {  	s5 =	rddreg [dreg:$0x0]  }
0x2: {  	s0 =	srdreg.scid;
	s9 =	rddreg [dreg:$0x1]  }
0x3: {  	s2 =	rddreg [dreg:$0x2];
	s1 =	stileid.u32;
	s3 =	simm.s32 $0x0  }
0x4: {  	s15 =	simm.s32 $0x5000;
	s16 =	simm.s32 $0x1;
	s17 =	simm.s32 $0x0  }
0x5: {  	s6 =	sand.u32 $0x1, s0;
	s0 =	rddreg [dreg:$0x3];
	s8 =	smul.u32 $0x4F000, s1  }
0x6: {  	[smem:$0x7FF] =	sst s3;
	s12 =	smul.u32 $0x13C00, s1;
	s30 =	sshll.u32 s1, $0x6  }
0x7: {  	s4 =	sshll.u32 s6, $0x4;
	_ =	strace $0x8000004A;
	s26 =	ssub.s32 $0x2, s6  }
0x8: {  	s11 =	smul.u32 $0x13C000, s6;
	s6 =	sor.u32 $0x1C02, s30;
	s4 =	sor.u32 s1, s4  }
0x9: {  	s28 =	sshrl.u32 s26, $0x1;
	s29 =	sshrl.u32 s8, $0x2;
	s7 =	smul.u32 $0x500, s4  }
0xa: {  	s4 =	sadd.s32 $0x19400, s5;
	s13 =	ssub.s32 s26, s28;
	s11 =	sadd.s32 s12, s11  }
0xb: {  	s14 =	sadd.s32 s29, s2;
	s12 =	simm.s32 $0x2;
	s31 =	sshrl.u32 s11, $0x3  }
0xc: {  	s11 =	sshrl.u32 s14, $0x3;
	s14 =	simm.s32 $0x80;
	s10 =	sadd.s32 s7, s5  }
0xd: {  	s5 =	sadd.s32 $0xCC00, s5;
	s9 =	sadd.s32 s9, s31;
	s7 =	sadd.s32 $0xF400, s10  }
0xe: {  	s8 =	sadd.s32 $0x2400, s10;
	s10 =	smax.u32 s13, $0x1;
	s13 =	simm.s32 $0x2800  }
.LBB2_1:
0xf: {  	[spmem:s11], [sflag:s6] =	dma.local [hbm:s5], $0x2780  }
0x10: {  	_ =	swait.ge [sflag:s12], $0x2780  }
0x11: {  	[sflag:s12] =	ssyncset.done $0x0  }
0x12: {  	[sflag:s12] =	ssyncadd.s32 $0xFFFFD880  }
0x13: {  	[tilespmem:s3], [sflag:$0x2] =	stream.linear.gather [hbm4b:s7+s3], $0x2780, $0x38;
	[tilespmem:$0x1CC00] =	vst v63  }
0x14: {  	_ =	swait.ge [sflag:s12], $0x2780  }
0x15: {  	[sflag:s12] =	ssyncset.done $0x0  }
0x16: {  	[sflag:s12] =	ssyncadd.s32 $0xFFFFD880  }
0x17: {  	[tilespmem:s13], [sflag:$0x2] =	stream.linear.gather [hbm4b:s8+s3], $0x2780, $0x38;
	[tilespmem:$0x1CC00] =	vst v63  }
0x18: {  	_ =	swait.ge [sflag:s12], $0x2780  }
0x19: {  	[sflag:s12] =	ssyncset.done $0x0  }
0x1a: {  	[sflag:s12] =	ssyncadd.s32 $0xFFFFD880  }
0x1b: {  	s18 =	simm.s32 $0x0;
	[bflag:$0x0] =	sbarrier.arrive $0xFFFF  }
0x1c: {  	[tilespmem:s15], [sflag:$0x1] =	stream.indirect.gather [hbm4b:s4+s14], $0x80, s18, s14, $0xb8;
	[tilespmem:$0x1CC00] =	vst v63  }
0x1d: {  	_ =	swait.ge [sflag:s16], $0x4000  }
0x1e: {  	[sflag:s16] =	ssyncset.done $0x0  }
0x1f: {  	s31 =	simm.s32 $0x2800;
	[sflag:s16] =	ssyncadd.s32 $0xFFFFC000  }
0x20: {  	[spmem:s2] =	stream.indirect.scatter.add.f32 [tilespmem:s15], [sflag:$0x2], $0x80, s31, s14, $0xb8;
	[tilespmem:$0x1CC00] =	vst v63  }
0x21: {  	_ =	swait.ge [sflag:s12], $0x4000  }
0x22: {  	s19 =	simm.s32 $0x400;
	s18 =	simm.s32 $0x200;
	[sflag:s12] =	ssyncset.done $0x0  }
.LBB2_2:
0x23: {  	s20 =	sshra.s32 s18, $0x2  }
0x24: {  	[sflag:s12] =	ssyncadd.s32 $0xFFFFC000;
	s18 =	smov.u32 s19;
	s21 =	sadd.s32 $0x200, s19  }
0x25: {  	[tilespmem:s15], [sflag:$0x1] =	stream.indirect.gather [hbm4b:s4+s14], $0x80, s20, s14, $0xb8;
	[tilespmem:$0x1CC00] =	vst v63  }
0x26: {  	p0 =	sne.s32 s19, $0x9C00;
	_ =	swait.ge [sflag:s16], $0x4000  }
.Ltmp0:
0x27: {  	[sflag:s16] =	ssyncset.done $0x0;
	(pc) =	sbr.rel @p0 .LBB2_2-.Ltmp0, $4  }
0x28: {  	s19 =	sadd.s32 $0x2800, s20;
	[sflag:s16] =	ssyncadd.s32 $0xFFFFC000  }
0x29: {  	[spmem:s2] =	stream.indirect.scatter.add.f32 [tilespmem:s15], [sflag:$0x2], $0x80, s19, s14, $0xb8;
	[tilespmem:$0x1CC00] =	vst v63  }
0x2a: {  	_ =	swait.ge [sflag:s12], $0x4000  }
0x2b: {  	s19 =	smov.u32 s21;
	[sflag:s12] =	ssyncset.done $0x0  }
0x2c: {  	s18 =	sshra.s32 s18, $0x2;
	[sflag:s12] =	ssyncadd.s32 $0xFFFFC000  }
0x2d: {  	[tilespmem:s15], [sflag:$0x1] =	stream.indirect.gather [hbm4b:s4+s14], $0x80, s18, s14, $0xb8;
	[tilespmem:$0x1CC00] =	vst v63  }
0x2e: {  	_ =	swait.ge [sflag:s16], $0x4000  }
0x2f: {  	[sflag:s16] =	ssyncset.done $0x0  }
0x30: {  	s18 =	sadd.s32 $0x2800, s18;
	[sflag:s16] =	ssyncadd.s32 $0xFFFFC000  }
0x31: {  	[spmem:s2] =	stream.indirect.scatter.add.f32 [tilespmem:s15], [sflag:$0x2], $0x80, s18, s14, $0xb8;
	[tilespmem:$0x1CC00] =	vst v63  }
0x32: {  	_ =	swait.ge [sflag:s12], $0x4000  }
0x33: {  	s17 =	sadd.s32 $0x1, s17;
	[sflag:s12] =	ssyncset.done $0x0  }
0x34: {  	p0 =	sne.s32 s17, s10;
	[sflag:s12] =	ssyncadd.s32 $0xFFFFC000  }
.Ltmp1:
0x35: {  	[bflag:$0x0] =	sbarrier.arrive $0xFFFF;
	(pc) =	sbr.rel @p0 .LBB2_1-.Ltmp1, $4  }
0x36: {  	[hbm:s9], [sflag:s6] =	dma.local [spmem:s11], $0x2780  }
0x37: {  	_ =	swait.ge [sflag:s12], $0x2780  }
0x38: {  	[sflag:s12] =	ssyncset.done $0x0  }
0x39: {  	[sflag:s12] =	ssyncadd.s32 $0xFFFFD880  }
0x3a: {  	_ =	sfence.sel $0x180000  }
0x3b: {  	[bflag:$0x0] =	sbarrier.arrive $0xFFFF  }
0x3c: {  	p0 =	sne.s32 s1, $0x0;
	_ =	strace $0x9000004A  }
0x3d: {  	s0 =	sadd.s32 @!p0 $0x100000, s0;
	[bflag:$0x2] =	sbarrier.arrive $0xFFFF  }
0x3e: {  	[sflag:s0] =	ssyncadd.tile.s32 @!p0 $0x1;
	_ =	shalt  }
.Lfunc_end2:
_tile_overlayer_lowered:
.L_overlay_start_2:
0x3f: {  	(tag) =	ssettag $0x2  }
0x40: {  	s0 =	rddreg [dreg:$0x0];
	s2 =	stileid.u32  }
0x41: {  	s1 =	rddreg [dreg:$0x1];
	p0 =	sne.s32 s2, $0x0  }
0x42: {  	s3 =	rddreg [dreg:$0x2];
	[bflag:$0x3] =	sbarrier.arrive $0xFFFF;
	s2 =	simm.s32 @!p0 $0x1C02  }
0x43: {  	[timem:s3], [sflag:s2] =	dma.local @!p0 [hbm:s0], s1  }
0x44: {  	s0 =	simm.s32 @!p0 $0x2  }
0x45: {  	_ =	swait.ge @!p0 [sflag:s0], s1  }
0x46: {  	s1 =	ssub.s32 @!p0 $0x0, s1;
	[sflag:s0] =	ssyncset.done @!p0 $0x0  }
0x47: {  	[sflag:s0] =	ssyncadd.s32 @!p0 s1  }
0x48: {  	[bflag:$0x3] =	sbarrier.arrive $0xFFFF  }
0x49: {  	_ =	shalt  }

// kernel: kernel.15.cloned.1.call-start
scs
__scs_entry_jumppad:
0x0: {  	(pc) =	sbr.rel $0x88, $3  }
0x1: {  	(tag) =	ssettag $0x0;
	lr =	simm.s32 $0x1  }
0x2: {  	[smem:$0x3F97] =	sst lr;
	_ =	strace $0xD0000000  }
0x3: {  	_ = 	snop  }
0x4: {  	_ = 	snop  }
0x5: {  	_ = 	snop  }
0x6: {  	_ = 	snop  }
0x7: {  	_ = 	snop  }
__scs_overlays_trampoline_lowered:
0x8: {  	[smem:$0x3FA6] =	sst s0  }
0x9: {  	[smem:$0x3FA7] =	sst s1  }
0xa: {  	[smem:$0x3FA8] =	sst s2  }
0xb: {  	[smem:$0x3FA9] =	sst s3  }
0xc: {  	[smem:$0x3FAA] =	sst s4  }
0xd: {  	[smem:$0x3FAB] =	sst s5  }
0xe: {  	[smem:$0x3FAC] =	sst s6  }
0xf: {  	[smem:$0x3FAD] =	sst s7  }
0x10: {  	[smem:$0x3FAE] =	sst s8  }
0x11: {  	[smem:$0x3FAF] =	sst s9;
	s0 =	simm.s32 @!p0 $0x0  }
0x12: {  	s1 =	sld [smem:$0x3F95];
	s0 =	simm.s32 @p0 $0x1  }
0x13: {  	[smem:$0x3FB0] =	sst s0;
	s0 =	simm.s32 @!p1 $0x0  }
0x14: {  	s2 =	sld [smem:$0x3F94];
	s0 =	simm.s32 @p1 $0x1  }
0x15: {  	[smem:$0x3FB1] =	sst s0;
	s0 =	simm.s32 @!p2 $0x0  }
0x16: {  	s3 =	sld [smem:$0x3FDB];
	s0 =	simm.s32 @p2 $0x1  }
0x17: {  	s4 =	simm.s32 $0x1BF5;
	[smem:$0x3FB3] =	sst s0  }
0x18: {  	s0 =	sld [smem:$0x3F96];
	_ =	swait.ge [sflag:s4], $0x0  }
0x19: {  	s7 =	sld [smem:$0x3F97]  }
0x1a: {  	s8 =	sadd.s32 $0xFFFFE003, lr  }
0x1b: {  	s9 =	sadd.s32 $0xFFFFFEF7, lr;
	s5 =	simm.s32 $0xFFFFFFFF;
	p2 =	slt.u32 s8, $0xFFFFF086  }
0x1c: {  	p1 =	slt.u32 s9, $0xF7A;
	s5 =	simm.s32 @!p2 $0x0  }
0x1d: {  	s5 =	simm.s32 @p1 $0x1;
	p0 =	seq.s32 s7, s2  }
0x1e: {  	s7 =	smul.u32 @!p0 $0xF7A, s2;
	p2 =	seq.s32 @!p0 s5, $0x0  }
0x1f: {  	s9 =	smul.u32 $0xF7A, s1;
	s8 =	simm.s32 @!p0 $0x1BF5;
	p2 =	por !p2, p0  }
0x20: {  	[sflag:s8] =	ssyncset.s32 @!p0 $0xFFFFF086;
	s6 =	sadd.s32 @!p0 s3, s7;
	s7 =	simm.s32 @!p0 $0x108  }
0x21: {  	s3 =	sadd.s32 s3, s9;
	s6 =	sadd.s32 @!p0 $0x88, s6;
	s7 =	simm.s32 @p2 $0x1082  }
0x22: {  	[simem:s7], [sflag:s8] =	dma.local @!p0 [hbm:s6], $0xF7A  }
0x23: {  	s9 =	sor.u32 $0xD0000000, s2;
	s6 =	simm.s32 $0x108;
	_ =	swait.ge @!p0 [sflag:s8], $0x0  }
0x24: {  	s3 =	sadd.s32 $0x88, s3;
	s6 =	simm.s32 @!p1 $0x1082;
	[sflag:s4] =	ssyncset.s32 $0xFFFFF086  }
0x25: {  	[simem:s6], [sflag:s4] =	dma.local [hbm:s3], $0xF7A  }
0x26: {  	[smem:$0x3F97] =	sst s1;
	(tag) =	ssettag s2;
	_ =	strace s9  }
0x27: {  	s1 =	sld [smem:$0x3FA7]  }
0x28: {  	s2 =	sld [smem:$0x3FA8]  }
0x29: {  	s4 =	sld [smem:$0x3FAA]  }
0x2a: {  	p0 =	seq.s32 s5, $0x0;
	s5 =	sld [smem:$0x3FAB]  }
0x2b: {  	s6 =	sld [smem:$0x3FAC]  }
0x2c: {  	s7 =	sld [smem:$0x3FAD]  }
0x2d: {  	s3 =	simm.s32 $0x108;
	s8 =	sld [smem:$0x3FAE]  }
0x2e: {  	s3 =	simm.s32 @!p0 $0x1082;
	s9 =	sld [smem:$0x3FAF]  }
0x2f: {  	lr =	sadd.s32 s0, s3;
	s0 =	sld [smem:$0x3FA6]  }
0x30: {  	s3 =	sld [smem:$0x3FA9]  }
0x31: {  	[smem:$0x3FB2] =	sst s10  }
0x32: {  	s10 =	sld [smem:$0x3FB0];
	_ =	sdelay $0x3  }
0x33: {  	p0 =	seq.s32 s10, $0x1;
	s10 =	sld [smem:$0x3FB2];
	_ =	sdelay $0x3  }
0x34: {  	[smem:$0x3FB2] =	sst s10  }
0x35: {  	s10 =	sld [smem:$0x3FB1];
	_ =	sdelay $0x3  }
0x36: {  	p1 =	seq.s32 s10, $0x1;
	s10 =	sld [smem:$0x3FB2];
	_ =	sdelay $0x3  }
0x37: {  	[smem:$0x3FB2] =	sst s10  }
0x38: {  	s10 =	sld [smem:$0x3FB3]  }
0x39: {  	_ = 	snop;
	(pc) =	sbr.ind lr, $3  }
0x3a: {  	_ = 	snop  }
0x3b: {  	_ = 	snop  }
0x3c: {  	p2 =	seq.s32 s10, $0x1;
	s10 =	sld [smem:$0x3FB2]  }
0x3d: {  	_ =	shalt  }
0x3e: {  	_ =	shalt  }
0x3f: {  	_ =	shalt  }
0x40: {  	_ =	shalt  }
0x41: {  	_ =	shalt  }
0x42: {  	_ =	shalt  }
0x43: {  	_ =	shalt  }
0x44: {  	_ =	shalt  }
0x45: {  	_ =	shalt  }
0x46: {  	_ =	shalt  }
0x47: {  	_ =	shalt  }
0x48: {  	_ =	shalt  }
0x49: {  	_ =	shalt  }
0x4a: {  	_ =	shalt  }
0x4b: {  	_ =	shalt  }
0x4c: {  	_ =	shalt  }
0x4d: {  	_ =	shalt  }
0x4e: {  	_ =	shalt  }
0x4f: {  	_ =	shalt  }
0x50: {  	_ =	shalt  }
0x51: {  	_ =	shalt  }
0x52: {  	_ =	shalt  }
0x53: {  	_ =	shalt  }
0x54: {  	_ =	shalt  }
0x55: {  	_ =	shalt  }
0x56: {  	_ =	shalt  }
0x57: {  	_ =	shalt  }
0x58: {  	_ =	shalt  }
0x59: {  	_ =	shalt  }
0x5a: {  	_ =	shalt  }
0x5b: {  	_ =	shalt  }
0x5c: {  	_ =	shalt  }
0x5d: {  	_ =	shalt  }
0x5e: {  	_ =	shalt  }
0x5f: {  	_ =	shalt  }
0x60: {  	_ =	shalt  }
0x61: {  	_ =	shalt  }
0x62: {  	_ =	shalt  }
0x63: {  	_ =	shalt  }
0x64: {  	_ =	shalt  }
0x65: {  	_ =	shalt  }
0x66: {  	_ =	shalt  }
0x67: {  	_ =	shalt  }
0x68: {  	_ =	shalt  }
0x69: {  	_ =	shalt  }
0x6a: {  	_ =	shalt  }
0x6b: {  	_ =	shalt  }
0x6c: {  	_ =	shalt  }
0x6d: {  	_ =	shalt  }
0x6e: {  	_ =	shalt  }
0x6f: {  	_ =	shalt  }
0x70: {  	_ =	shalt  }
0x71: {  	_ =	shalt  }
0x72: {  	_ =	shalt  }
0x73: {  	_ =	shalt  }
0x74: {  	_ =	shalt  }
0x75: {  	_ =	shalt  }
0x76: {  	_ =	shalt  }
0x77: {  	_ =	shalt  }
0x78: {  	_ =	shalt  }
0x79: {  	_ =	shalt  }
0x7a: {  	_ =	shalt  }
0x7b: {  	_ =	shalt  }
0x7c: {  	_ =	shalt  }
0x7d: {  	_ =	shalt  }
0x7e: {  	_ =	shalt  }
0x7f: {  	_ =	shalt  }
0x80: {  	_ =	shalt  }
0x81: {  	_ =	shalt  }
0x82: {  	_ =	shalt  }
0x83: {  	_ =	shalt  }
0x84: {  	_ =	shalt  }
0x85: {  	_ =	shalt  }
0x86: {  	_ =	shalt  }
0x87: {  	_ =	shalt  }
.Lfunc_end0:
.L_simem_size_0:
called_computation.2_lowered:
.L_overlay_start_0:
0x88: {  	s2 =	sld [smem:$0x3FD9]  }
0x89: {  	s3 =	sld [smem:$0x3FFE];
	_ =	sdelay $0x1  }
0x8a: {  	s1 =	srdreg.scid  }
0x8b: {  	s0 =	sand.u32 $0x1, s1  }
0x8c: {  	s14 =	sshll.u32 s0, $0xA;
	s2 =	sadd.s32 s3, s2  }
0x8d: {  	s2 =	sadd.s32 s2, s14  }
0x8e: {  	[smem:$0x3FBE] =	sst s2  }
0x8f: {  	_ = 	snop  }
0x90: {  	s2 =	sld [smem:$0x3FD0];
	_ =	sdelay $0x2  }
0x91: {  	s15 =	simm.s32 $0xA;
	s4 =	simm.s32 $0x10  }
0x92: {  	[smem:s4], [sflag:s15] =	dma.local [hbm:s2], $0x1  }
0x93: {  	_ =	swait.eq [sflag:s15], $0x1  }
0x94: {  	[sflag:s15] =	ssyncset.done $0x0  }
0x95: {  	[sflag:s15] =	ssyncadd.s32 $0xFFFFFFFF  }
0x96: {  	s16 =	sld [smem:$0x10];
	(tm) =	ssettm $0x1  }
0x97: {  	s17 =	sld [smem:$0x3FFB];
	_ =	sdelay $0x3  }
0x98: {  	_ =	strace s17  }
0x99: {  	s3 =	sld [smem:$0x3FFC];
	_ =	sdelay $0x3  }
0x9a: {  	_ =	strace s3  }
0x9b: {  	s3 =	sld [smem:$0x3FFD];
	_ =	sdelay $0x3  }
0x9c: {  	_ =	strace s3  }
0x9d: {  	_ =	strace $0x8FFFFFFF  }
0x9e: {  	s18 =	sld [smem:$0x3FDB];
	_ =	sdelay $0x1  }
0x9f: {  	s19 =	simm.s32 $_scs_section_size  }
0xa0: {  	s5 =	simm.s32 $_size__tile_overlayer_lowered;
	s6 =	simm.s32 $_tile_overlayer_lowered  }
0xa1: {  	s22 =	simm.s32 $0x1BFF;
	s21 =	sshll.u32 s6, $0x1;
	s3 =	sadd.s32 s19, s18  }
0xa2: {  	s7 =	simm.s32 $0x0;
	s20 =	sshll.u32 s5, $0x1;
	s5 =	sadd.s32 s21, s3  }
0xa3: {  	[timem:s7], [sflag:s22] =	dma.local [hbm:s5], s20  }
0xa4: {  	_ =	swait.ge [sflag:s22], s20  }
0xa5: {  	s4 =	ssub.s32 $0x0, s20;
	[sflag:s22] =	ssyncset.done $0x0  }
0xa6: {  	[sflag:s22] =	ssyncadd.s32 s4;
	_ =	sdelay $0x1  }
0xa7: {  	s23 =	simm.s32 $0x1B8B  }
0xa8: {  	_ =	swait.ge [sflag:s23], $0x1  }
0xa9: {  	[sflag:s23] =	ssyncset.done $0x0  }
0xaa: {  	s25 =	simm.s32 $0x1B8E;
	s24 =	sld [smem:$0x3FFE];
	[sflag:s23] =	ssyncadd.s32 $0xFFFFFFFF  }
0xab: {  	s26 =	simm.s32 $execute0_lowered;
	[smem:$0x3FD2] =	sst s25  }
0xac: {  	s5 =	sshll.u32 s26, $0x1;
	_ =	strace $0x8000004C;
	[dreg:$0x1] =	wrdreg $0xFFFFFFFF  }
0xad: {  	s28 =	simm.s32 $_size_execute0_lowered;
	s3 =	sadd.s32 s3, s5;
	[dreg:$0x0] =	wrdreg $0x0  }
0xae: {  	s5 =	sshll.u32 s28, $0x1;
	[dreg:$0x2] =	wrdreg s3  }
0xaf: {  	[dreg:$0x3] =	wrdreg s5  }
0xb0: {  	[dreg:$0x4] =	wrdreg $0xC0  }
0xb1: {  	_ =	task [dreg:s7], $0x5FFFF  }
0xb2: {  	[dreg:$0x1] =	wrdreg $0xFFFFFFFF  }
0xb3: {  	[dreg:$0x0] =	wrdreg $0x60  }
0xb4: {  	[dreg:$0x2] =	wrdreg s16  }
0xb5: {  	[dreg:$0x3] =	wrdreg s24  }
0xb6: {  	[dreg:$0x4] =	wrdreg $0x9  }
0xb7: {  	_ =	task.clear_ibuf [dreg:s7], $0x5FFFF;
	_ =	strace $0x9000004C  }
0xb8: {  	s29 =	simm.s32 $0x9;
	_ =	strace $0x8000004E  }
0xb9: {  	_ =	swait.ge [sflag:s29], $0x1  }
0xba: {  	[sflag:s29] =	ssyncadd.s32 $0xFFFFFFFF  }
0xbb: {  	_ =	strace $0x9000004E  }
0xbc: {  	_ =	sfence  }
0xbd: {  	s30 =	sld [smem:$0x0];
	_ =	sdelay $0x2  }
0xbe: {  	s31 =	sshll.u32 s1, $0xD;
	s1 =	sshrl.u32 s1, $0x2  }
0xbf: {  	s3 =	sand.u32 $0x4000, s31;
	s1 =	sadd.s32 s1, s30  }
0xc0: {  	s0 =	sor.u32 s3, s0;
	s1 =	sshll.u32 s1, $0x11  }
0xc1: {  	s0 =	sor.u32 s1, s0  }
0xc2: {  	s0 =	sadd.s32 $0x8F2B, s0  }
0xc3: {  	[sflag:s0] =	ssyncadd.remote.s32 $0x1  }
0xc4: {  	_ =	sfence.sel $0xFFFF  }
0xc5: {  	[dreg:$0x0] =	wrdreg $0xFFFFFFFF;
	(pc) =	sbr.abs _section_cstart, $3  }
0xc6: {  	[dreg:$0x1] =	wrdreg $0xFFFFFFFF  }
0xc7: {  	_ =	task.clear_ibuf [dreg:s7], $0x2FFFF;
	_ =	strace $0x9FFFFFFF  }
0xc8: {  	(tm) =	ssettm $0x7FFFFFFF  }
0xc9: {  	_ =	shalt  }
tec
execute0_lowered:
.L_overlay_start_1:
0x0: {  	(tag) =	ssettag $0x1  }
0x1: {  	s2 =	rddreg [dreg:$0x0]  }
0x2: {  	s0 =	srdreg.scid;
	s5 =	rddreg [dreg:$0x1];
	s3 =	simm.s32 $0x0  }
0x3: {  	s10 =	simm.s32 $0x2800;
	s11 =	simm.s32 $0x80;
	s12 =	simm.s32 $0x5000  }
0x4: {  	s13 =	simm.s32 $0x9000;
	s14 =	simm.s32 $0x1;
	s15 =	simm.s32 $0x2  }
0x5: {  	s16 =	simm.s32 $0x6;
	s17 =	simm.s32 $0x3;
	s18 =	simm.s32 $0x4  }
0x6: {  	s19 =	simm.s32 $0xD000;
	s20 =	simm.s32 $0x0;
	s4 =	sand.u32 $0x1, s0  }
0x7: {  	s0 =	stileid.u32;
	[smem:$0x7FF] =	sst s3;
	s1 =	sshll.u32 s4, $0x4  }
.Ltmp0:
0x8: {  	s8 =	ssub.s32 $0x2, s4;
	s7 =	sor.u32 s0, s1;
	(pc) =	sbr.rel .LBB2_1-.Ltmp0, $4  }
0x9: {  	s4 =	sadd.s32 $0x19400, s5;
	s9 =	sshrl.u32 s8, $0x1;
	s6 =	smul.u32 $0x500, s7  }
0xa: {  	s1 =	rddreg [dreg:$0x2];
	_ =	strace $0x8000004D;
	s8 =	ssub.s32 s8, s9  }
0xb: {  	s7 =	smul.u32 $0x13C000, s7;
	s9 =	simm.s32 $0x5;
	s6 =	sadd.s32 s6, s5  }
0xc: {  	s8 =	smax.u32 s8, $0x1;
	s5 =	sadd.s32 $0xF400, s6;
	s6 =	sadd.s32 $0x2400, s6  }
.LBB2_9:
0xd: {  	s20 =	sadd.s32 $0x1, s20  }
0xe: {  	p0 =	sne.s32 s20, s8  }
.Ltmp1:
0xf: {  	_ = 	snop;
	(pc) =	sbr.rel @!p0 .LBB2_10-.Ltmp1, $1  }
0x10: {  	_ =	sdelay $0x3  }
.LBB2_1:
0x11: {  	[tilespmem:s3], [sflag:$0x5] =	stream.linear.gather [hbm4b:s5+s3], $0x2780, $0x38;
	[tilespmem:$0x15000] =	vst v63  }
0x12: {  	_ =	swait.ge [sflag:s9], $0x2780  }
0x13: {  	[sflag:s9] =	ssyncset.done $0x0  }
0x14: {  	[sflag:s9] =	ssyncadd.s32 $0xFFFFD880  }
0x15: {  	[tilespmem:s10], [sflag:$0x5] =	stream.linear.gather [hbm4b:s6+s3], $0x2780, $0x38;
	[tilespmem:$0x15000] =	vst v63  }
0x16: {  	_ =	swait.ge [sflag:s9], $0x2780  }
.Ltmp2:
0x17: {  	[sflag:s9] =	ssyncset.done $0x0;
	(pc) =	sbr.rel .LBB2_2-.Ltmp2, $4  }
0x18: {  	[sflag:s9] =	ssyncadd.s32 $0xFFFFD880  }
0x19: {  	[tilespmem:s12], [sflag:$0x1] =	stream.indirect.gather [hbm4b:s2+s11], $0x80, s3, s11, $0xb8;
	[tilespmem:$0x15000] =	vst v63  }
0x1a: {  	s21 =	simm.s32 $0x0  }
0x1b: {  	[tilespmem:s13], [sflag:$0x2] =	stream.indirect.gather [hbm4b:s2+s11], $0x80, s10, s11, $0xb8;
	[tilespmem:$0x15000] =	vst v63  }
.LBB2_8:
0x1c: {  	s21 =	sadd.s32 $0x1, s21  }
0x1d: {  	p0 =	sne.s32 s21, $0x28  }
.Ltmp3:
0x1e: {  	_ = 	snop;
	(pc) =	sbr.rel @!p0 .LBB2_9-.Ltmp3, $1  }
0x1f: {  	_ =	sdelay $0x3  }
.LBB2_2:
0x20: {  	s22 =	sshllo.u32 s21, $0x1  }
0x21: {  	p0 =	sgt.u32 s22, $0x4E  }
0x22: {  	s23 =	sshll.u32 @!p0 s22, $0x7;
	s24 =	simm.s32 @!p0 $0x80;
	s25 =	simm.s32 @!p0 $0xD000  }
0x23: {  	[tilespmem:s25], [sflag:$0x3] =	stream.indirect.gather @!p0 [hbm4b:s2+s24], $0x80, s23, s24, $0xb8;
	[tilespmem:$0x15000] =	vst v63  }
0x24: {  	s23 =	sadd.s32 @!p0 $0x2800, s23;
	s25 =	simm.s32 @!p0 $0x11000  }
0x25: {  	[tilespmem:s25], [sflag:$0x4] =	stream.indirect.gather @!p0 [hbm4b:s2+s24], $0x80, s23, s24, $0xb8;
	[tilespmem:$0x15000] =	vst v63  }
0x26: {  	_ =	swait.ge [sflag:s14], $0x4000  }
0x27: {  	[sflag:s14] =	ssyncset.done $0x0  }
0x28: {  	[sflag:s14] =	ssyncadd.s32 $0xFFFFC000  }
0x29: {  	_ =	swait.ge [sflag:s15], $0x4000  }
0x2a: {  	[sflag:s15] =	ssyncset.done $0x0  }
0x2b: {  	s23 =	simm.s32 $0x0;
	[sflag:s15] =	ssyncadd.s32 $0xFFFFC000  }
0x2c: {  	v6 =	vld [tilespmem:s23+$0x9000]  }
0x2d: {  	v7 =	vld [tilespmem:s23+$0x9010]  }
0x2e: {  	v8 =	vld [tilespmem:s23+$0x9020]  }
0x2f: {  	v9 =	vld [tilespmem:s23+$0x9030]  }
0x30: {  	v10 =	vld [tilespmem:s23+$0x9040]  }
0x31: {  	v11 =	vld [tilespmem:s23+$0x9050]  }
0x32: {  	v12 =	vld [tilespmem:s23+$0x9060]  }
0x33: {  	v13 =	vld [tilespmem:s23+$0x9070]  }
0x34: {  	v14 =	vld [tilespmem:s23+$0x9080]  }
0x35: {  	v15 =	vld [tilespmem:s23+$0x9090]  }
0x36: {  	v5 =	vld [tilespmem:s23+$0x90A0]  }
0x37: {  	v4 =	vld [tilespmem:s23+$0x90B0]  }
0x38: {  	v3 =	vld [tilespmem:s23+$0x90C0]  }
0x39: {  	v2 =	vld [tilespmem:s23+$0x90D0]  }
0x3a: {  	v1 =	vld [tilespmem:s23+$0x90E0]  }
0x3b: {  	v0 =	vld [tilespmem:s23+$0x90F0]  }
0x3c: {  	v16 =	vld [tilespmem:s23+$0x5000]  }
0x3d: {  	v17 =	vld [tilespmem:s23+$0x5010]  }
0x3e: {  	v18 =	vld [tilespmem:s23+$0x5020]  }
0x3f: {  	v19 =	vld [tilespmem:s23+$0x5030]  }
0x40: {  	v20 =	vld [tilespmem:s23+$0x5040]  }
0x41: {  	v60 =	vld [tilespmem:s23+$0x5050];
	v6 =	vadd.f32 v6, v16  }
0x42: {  	v21 =	vld [tilespmem:s23+$0x5060];
	v7 =	vadd.f32 v7, v17  }
0x43: {  	v61 =	vld [tilespmem:s23+$0x5070];
	[tilespmem:s23+$0x5000] =	vst v6;
	v6 =	vadd.f32 v8, v18  }
0x44: {  	v62 =	vld [tilespmem:s23+$0x5080];
	[tilespmem:s23+$0x5010] =	vst v7;
	v7 =	vadd.f32 v9, v19  }
0x45: {  	v63 =	vld [tilespmem:s23+$0x5090];
	[tilespmem:s23+$0x5020] =	vst v6;
	v6 =	vadd.f32 v10, v20  }
0x46: {  	v8 =	vadd.f32 v11, v60;
	[tilespmem:s23+$0x5030] =	vst v7;
	v7 =	vld [tilespmem:s23+$0x50A0]  }
0x47: {  	v9 =	vadd.f32 v12, v21;
	[tilespmem:s23+$0x5040] =	vst v6;
	v6 =	vld [tilespmem:s23+$0x50B0]  }
0x48: {  	[tilespmem:s23+$0x5050] =	vst v8;
	v8 =	vld [tilespmem:s23+$0x50C0];
	v10 =	vadd.f32 v13, v61  }
0x49: {  	v12 =	vadd.f32 v14, v62;
	[tilespmem:s23+$0x5060] =	vst v9;
	v9 =	vld [tilespmem:s23+$0x50D0]  }
0x4a: {  	s24 =	simm.s32 $0x400;
	v11 =	vadd.f32 v15, v63;
	[tilespmem:s23+$0x5070] =	vst v10;
	v10 =	vld [tilespmem:s23+$0x50E0]  }
.LBB2_3:
0x4b: {  	s25 =	sshra.s32 s24, $0x2;
	p1 =	sne.s32 s24, $0xFC00;
	[tilespmem:s23+$0x5080] =	vst v12;
	v5 =	vadd.f32 v5, v7;
	v7 =	vld [tilespmem:s23+$0x50F0]  }
0x4c: {  	v12 =	vld [tilespmem:s25+$0x9000];
	[tilespmem:s23+$0x5090] =	vst v11;
	v4 =	vadd.f32 v4, v6  }
0x4d: {  	v6 =	vld [tilespmem:s25+$0x9010];
	[tilespmem:s23+$0x50A0] =	vst v5;
	v3 =	vadd.f32 v3, v8  }
0x4e: {  	v8 =	vld [tilespmem:s25+$0x9020];
	[tilespmem:s23+$0x50B0] =	vst v4;
	v2 =	vadd.f32 v2, v9  }
0x4f: {  	v9 =	vld [tilespmem:s25+$0x9030];
	[tilespmem:s23+$0x50C0] =	vst v3;
	v1 =	vadd.f32 v1, v10  }
0x50: {  	v10 =	vld [tilespmem:s25+$0x9040];
	[tilespmem:s23+$0x50D0] =	vst v2;
	v0 =	vadd.f32 v0, v7  }
0x51: {  	v7 =	vld [tilespmem:s25+$0x9050];
	[tilespmem:s23+$0x50E0] =	vst v1  }
0x52: {  	v11 =	vld [tilespmem:s25+$0x9060];
	[tilespmem:s23+$0x50F0] =	vst v0;
	s23 =	smov.u32 s25  }
0x53: {  	v13 =	vld [tilespmem:s23+$0x9070]  }
0x54: {  	v14 =	vld [tilespmem:s23+$0x9080]  }
0x55: {  	v15 =	vld [tilespmem:s23+$0x9090]  }
0x56: {  	v5 =	vld [tilespmem:s23+$0x90A0]  }
0x57: {  	v4 =	vld [tilespmem:s23+$0x90B0]  }
0x58: {  	v3 =	vld [tilespmem:s23+$0x90C0]  }
0x59: {  	v2 =	vld [tilespmem:s23+$0x90D0]  }
0x5a: {  	v1 =	vld [tilespmem:s23+$0x90E0]  }
0x5b: {  	v0 =	vld [tilespmem:s23+$0x90F0]  }
0x5c: {  	v16 =	vld [tilespmem:s23+$0x5000]  }
0x5d: {  	v17 =	vld [tilespmem:s23+$0x5010]  }
0x5e: {  	v18 =	vld [tilespmem:s23+$0x5020]  }
0x5f: {  	v19 =	vld [tilespmem:s23+$0x5030]  }
0x60: {  	v20 =	vld [tilespmem:s23+$0x5040]  }
0x61: {  	v12 =	vadd.f32 v12, v16;
	v16 =	vld [tilespmem:s23+$0x5050]  }
0x62: {  	v6 =	vadd.f32 v6, v17;
	v17 =	vld [tilespmem:s23+$0x5060]  }
0x63: {  	[tilespmem:s23+$0x5000] =	vst v12;
	v8 =	vadd.f32 v8, v18;
	v12 =	vld [tilespmem:s23+$0x5070]  }
0x64: {  	[tilespmem:s23+$0x5010] =	vst v6;
	v6 =	vadd.f32 v9, v19;
	v9 =	vld [tilespmem:s23+$0x5080]  }
0x65: {  	[tilespmem:s23+$0x5020] =	vst v8;
	v8 =	vadd.f32 v10, v20;
	v10 =	vld [tilespmem:s23+$0x5090]  }
.Ltmp4:
0x66: {  	[tilespmem:s23+$0x5030] =	vst v6;
	v16 =	vadd.f32 v7, v16;
	v7 =	vld [tilespmem:s23+$0x50A0];
	(pc) =	sbr.rel @p1 .LBB2_3-.Ltmp4, $4  }
0x67: {  	[tilespmem:s23+$0x5040] =	vst v8;
	v11 =	vadd.f32 v11, v17;
	v6 =	vld [tilespmem:s23+$0x50B0]  }
0x68: {  	[tilespmem:s23+$0x5050] =	vst v16;
	v13 =	vadd.f32 v13, v12;
	v8 =	vld [tilespmem:s23+$0x50C0]  }
0x69: {  	[tilespmem:s23+$0x5060] =	vst v11;
	v12 =	vadd.f32 v14, v9;
	v9 =	vld [tilespmem:s23+$0x50D0]  }
0x6a: {  	s24 =	sadd.s32 $0x400, s24;
	[tilespmem:s23+$0x5070] =	vst v13;
	v11 =	vadd.f32 v15, v10;
	v10 =	vld [tilespmem:s23+$0x50E0]  }
0x6b: {  	[tilespmem:s23+$0x5080] =	vst v12;
	v5 =	vadd.f32 v5, v7;
	v63 =	vld [tilespmem:s23+$0x50F0]  }
0x6c: {  	[tilespmem:s23+$0x5090] =	vst v11;
	v4 =	vadd.f32 v4, v6  }
0x6d: {  	[tilespmem:s23+$0x50A0] =	vst v5;
	v3 =	vadd.f32 v3, v8  }
0x6e: {  	[tilespmem:s23+$0x50B0] =	vst v4;
	v2 =	vadd.f32 v2, v9  }
0x6f: {  	s24 =	sshll.u32 s21, $0xF;
	[tilespmem:s23+$0x50C0] =	vst v3;
	v1 =	vadd.f32 v1, v10  }
0x70: {  	s24 =	sadd.s32 s7, s24;
	[tilespmem:s23+$0x50D0] =	vst v2;
	v0 =	vadd.f32 v0, v63  }
0x71: {  	s24 =	sshrl.u32 s24, $0x3;
	[tilespmem:s23+$0x50E0] =	vst v1  }
.Ltmp5:
0x72: {  	s31 =	sadd.s32 s4, s24;
	[tilespmem:s23+$0x50F0] =	vst v0;
	(pc) =	sbr.rel @p0 .LBB2_8-.Ltmp5, $4  }
0x73: {  	[hbm4b:s31+s3] =	stream.linear.scatter [tilespmem:s12], [sflag:$0x6], $0x4000, $0x38;
	[tilespmem:$0x15000] =	vst v63  }
0x74: {  	_ =	swait.ge [sflag:s16], $0x4000  }
0x75: {  	[sflag:s16] =	ssyncset.done $0x0  }
0x76: {  	[sflag:s16] =	ssyncadd.s32 $0xFFFFC000  }
0x77: {  	s23 =	sshll.u32 s21, $0x8  }
0x78: {  	s24 =	sadd.s32 $0x100, s23  }
0x79: {  	[tilespmem:s12], [sflag:$0x1] =	stream.indirect.gather [hbm4b:s2+s11], $0x80, s24, s11, $0xb8;
	[tilespmem:$0x15000] =	vst v63  }
0x7a: {  	s23 =	sadd.s32 $0x2900, s23  }
0x7b: {  	[tilespmem:s13], [sflag:$0x2] =	stream.indirect.gather [hbm4b:s2+s11], $0x80, s23, s11, $0xb8;
	[tilespmem:$0x15000] =	vst v63  }
0x7c: {  	_ =	swait.ge [sflag:s17], $0x4000  }
0x7d: {  	[sflag:s17] =	ssyncset.done $0x0  }
0x7e: {  	[sflag:s17] =	ssyncadd.s32 $0xFFFFC000  }
0x7f: {  	_ =	swait.ge [sflag:s18], $0x4000  }
0x80: {  	[sflag:s18] =	ssyncset.done $0x0  }
0x81: {  	s23 =	simm.s32 $0x0;
	[sflag:s18] =	ssyncadd.s32 $0xFFFFC000  }
0x82: {  	v6 =	vld [tilespmem:s23+$0x11000]  }
0x83: {  	v7 =	vld [tilespmem:s23+$0x11010]  }
0x84: {  	v8 =	vld [tilespmem:s23+$0x11020]  }
0x85: {  	v9 =	vld [tilespmem:s23+$0x11030]  }
0x86: {  	v10 =	vld [tilespmem:s23+$0x11040]  }
0x87: {  	v11 =	vld [tilespmem:s23+$0x11050]  }
0x88: {  	v12 =	vld [tilespmem:s23+$0x11060]  }
0x89: {  	v13 =	vld [tilespmem:s23+$0x11070]  }
0x8a: {  	v14 =	vld [tilespmem:s23+$0x11080]  }
0x8b: {  	v15 =	vld [tilespmem:s23+$0x11090]  }
0x8c: {  	v5 =	vld [tilespmem:s23+$0x110A0]  }
0x8d: {  	v4 =	vld [tilespmem:s23+$0x110B0]  }
0x8e: {  	v3 =	vld [tilespmem:s23+$0x110C0]  }
0x8f: {  	v2 =	vld [tilespmem:s23+$0x110D0]  }
0x90: {  	v1 =	vld [tilespmem:s23+$0x110E0]  }
0x91: {  	v0 =	vld [tilespmem:s23+$0x110F0]  }
0x92: {  	v16 =	vld [tilespmem:s23+$0xD000]  }
0x93: {  	v17 =	vld [tilespmem:s23+$0xD010]  }
0x94: {  	v18 =	vld [tilespmem:s23+$0xD020]  }
0x95: {  	v19 =	vld [tilespmem:s23+$0xD030]  }
0x96: {  	v20 =	vld [tilespmem:s23+$0xD040]  }
0x97: {  	v60 =	vld [tilespmem:s23+$0xD050];
	v6 =	vadd.f32 v6, v16  }
0x98: {  	v21 =	vld [tilespmem:s23+$0xD060];
	v7 =	vadd.f32 v7, v17  }
0x99: {  	v61 =	vld [tilespmem:s23+$0xD070];
	[tilespmem:s23+$0xD000] =	vst v6;
	v6 =	vadd.f32 v8, v18  }
0x9a: {  	v62 =	vld [tilespmem:s23+$0xD080];
	[tilespmem:s23+$0xD010] =	vst v7;
	v7 =	vadd.f32 v9, v19  }
0x9b: {  	v63 =	vld [tilespmem:s23+$0xD090];
	[tilespmem:s23+$0xD020] =	vst v6;
	v6 =	vadd.f32 v10, v20  }
0x9c: {  	v8 =	vadd.f32 v11, v60;
	[tilespmem:s23+$0xD030] =	vst v7;
	v7 =	vld [tilespmem:s23+$0xD0A0]  }
0x9d: {  	v9 =	vadd.f32 v12, v21;
	[tilespmem:s23+$0xD040] =	vst v6;
	v6 =	vld [tilespmem:s23+$0xD0B0]  }
0x9e: {  	[tilespmem:s23+$0xD050] =	vst v8;
	v8 =	vld [tilespmem:s23+$0xD0C0];
	v10 =	vadd.f32 v13, v61  }
0x9f: {  	v12 =	vadd.f32 v14, v62;
	[tilespmem:s23+$0xD060] =	vst v9;
	v9 =	vld [tilespmem:s23+$0xD0D0]  }
0xa0: {  	s24 =	simm.s32 $0x400;
	v11 =	vadd.f32 v15, v63;
	[tilespmem:s23+$0xD070] =	vst v10;
	v10 =	vld [tilespmem:s23+$0xD0E0]  }
.LBB2_6:
0xa1: {  	s25 =	sshra.s32 s24, $0x2;
	p0 =	sne.s32 s24, $0xFC00;
	[tilespmem:s23+$0xD080] =	vst v12;
	v5 =	vadd.f32 v5, v7;
	v7 =	vld [tilespmem:s23+$0xD0F0]  }
0xa2: {  	v12 =	vld [tilespmem:s25+$0x11000];
	[tilespmem:s23+$0xD090] =	vst v11;
	v4 =	vadd.f32 v4, v6  }
0xa3: {  	v6 =	vld [tilespmem:s25+$0x11010];
	[tilespmem:s23+$0xD0A0] =	vst v5;
	v3 =	vadd.f32 v3, v8  }
0xa4: {  	v8 =	vld [tilespmem:s25+$0x11020];
	[tilespmem:s23+$0xD0B0] =	vst v4;
	v2 =	vadd.f32 v2, v9  }
0xa5: {  	v9 =	vld [tilespmem:s25+$0x11030];
	[tilespmem:s23+$0xD0C0] =	vst v3;
	v1 =	vadd.f32 v1, v10  }
0xa6: {  	v10 =	vld [tilespmem:s25+$0x11040];
	[tilespmem:s23+$0xD0D0] =	vst v2;
	v0 =	vadd.f32 v0, v7  }
0xa7: {  	v7 =	vld [tilespmem:s25+$0x11050];
	[tilespmem:s23+$0xD0E0] =	vst v1  }
0xa8: {  	v11 =	vld [tilespmem:s25+$0x11060];
	[tilespmem:s23+$0xD0F0] =	vst v0;
	s23 =	smov.u32 s25  }
0xa9: {  	v13 =	vld [tilespmem:s23+$0x11070]  }
0xaa: {  	v14 =	vld [tilespmem:s23+$0x11080]  }
0xab: {  	v15 =	vld [tilespmem:s23+$0x11090]  }
0xac: {  	v5 =	vld [tilespmem:s23+$0x110A0]  }
0xad: {  	v4 =	vld [tilespmem:s23+$0x110B0]  }
0xae: {  	v3 =	vld [tilespmem:s23+$0x110C0]  }
0xaf: {  	v2 =	vld [tilespmem:s23+$0x110D0]  }
0xb0: {  	v1 =	vld [tilespmem:s23+$0x110E0]  }
0xb1: {  	v0 =	vld [tilespmem:s23+$0x110F0]  }
0xb2: {  	v16 =	vld [tilespmem:s23+$0xD000]  }
0xb3: {  	v17 =	vld [tilespmem:s23+$0xD010]  }
0xb4: {  	v18 =	vld [tilespmem:s23+$0xD020]  }
0xb5: {  	v19 =	vld [tilespmem:s23+$0xD030]  }
0xb6: {  	v20 =	vld [tilespmem:s23+$0xD040]  }
0xb7: {  	v12 =	vadd.f32 v12, v16;
	v16 =	vld [tilespmem:s23+$0xD050]  }
0xb8: {  	v6 =	vadd.f32 v6, v17;
	v17 =	vld [tilespmem:s23+$0xD060]  }
0xb9: {  	[tilespmem:s23+$0xD000] =	vst v12;
	v8 =	vadd.f32 v8, v18;
	v12 =	vld [tilespmem:s23+$0xD070]  }
0xba: {  	[tilespmem:s23+$0xD010] =	vst v6;
	v6 =	vadd.f32 v9, v19;
	v9 =	vld [tilespmem:s23+$0xD080]  }
0xbb: {  	[tilespmem:s23+$0xD020] =	vst v8;
	v8 =	vadd.f32 v10, v20;
	v10 =	vld [tilespmem:s23+$0xD090]  }
.Ltmp6:
0xbc: {  	[tilespmem:s23+$0xD030] =	vst v6;
	v16 =	vadd.f32 v7, v16;
	v7 =	vld [tilespmem:s23+$0xD0A0];
	(pc) =	sbr.rel @p0 .LBB2_6-.Ltmp6, $4  }
0xbd: {  	[tilespmem:s23+$0xD040] =	vst v8;
	v11 =	vadd.f32 v11, v17;
	v6 =	vld [tilespmem:s23+$0xD0B0]  }
0xbe: {  	[tilespmem:s23+$0xD050] =	vst v16;
	v13 =	vadd.f32 v13, v12;
	v8 =	vld [tilespmem:s23+$0xD0C0]  }
0xbf: {  	[tilespmem:s23+$0xD060] =	vst v11;
	v12 =	vadd.f32 v14, v9;
	v9 =	vld [tilespmem:s23+$0xD0D0]  }
0xc0: {  	s24 =	sadd.s32 $0x400, s24;
	[tilespmem:s23+$0xD070] =	vst v13;
	v11 =	vadd.f32 v15, v10;
	v10 =	vld [tilespmem:s23+$0xD0E0]  }
0xc1: {  	[tilespmem:s23+$0xD080] =	vst v12;
	v5 =	vadd.f32 v5, v7;
	v63 =	vld [tilespmem:s23+$0xD0F0]  }
0xc2: {  	[tilespmem:s23+$0xD090] =	vst v11;
	v4 =	vadd.f32 v4, v6  }
0xc3: {  	[tilespmem:s23+$0xD0A0] =	vst v5;
	v3 =	vadd.f32 v3, v8  }
0xc4: {  	[tilespmem:s23+$0xD0B0] =	vst v4;
	v2 =	vadd.f32 v2, v9  }
0xc5: {  	s22 =	sshll.u32 s22, $0xE;
	[tilespmem:s23+$0xD0C0] =	vst v3;
	v1 =	vadd.f32 v1, v10  }
0xc6: {  	s22 =	sadd.s32 s7, s22;
	[tilespmem:s23+$0xD0D0] =	vst v2;
	v0 =	vadd.f32 v0, v63  }
0xc7: {  	s22 =	sshrl.u32 s22, $0x3;
	[tilespmem:s23+$0xD0E0] =	vst v1  }
.Ltmp7:
0xc8: {  	s22 =	sadd.s32 s4, s22;
	[tilespmem:s23+$0xD0F0] =	vst v0;
	(pc) =	sbr.rel .LBB2_8-.Ltmp7, $4  }
0xc9: {  	[hbm4b:s22+s3] =	stream.linear.scatter [tilespmem:s19], [sflag:$0x5], $0x4000, $0x38;
	[tilespmem:$0x15000] =	vst v63  }
0xca: {  	_ =	swait.ge [sflag:s9], $0x4000  }
0xcb: {  	[sflag:s9] =	ssyncset.done $0x0  }
0xcc: {  	[sflag:s9] =	ssyncadd.s32 $0xFFFFC000  }
.LBB2_10:
0xcd: {  	_ =	sfence.sel $0x180000  }
0xce: {  	[bflag:$0x0] =	sbarrier.arrive $0xFFFF  }
0xcf: {  	p0 =	sne.s32 s0, $0x0;
	_ =	strace $0x9000004D  }
0xd0: {  	s0 =	sadd.s32 @!p0 $0x100000, s1;
	[bflag:$0x2] =	sbarrier.arrive $0xFFFF  }
0xd1: {  	[sflag:s0] =	ssyncadd.tile.s32 @!p0 $0x1;
	_ =	shalt  }
.Lfunc_end2:
_tile_overlayer_lowered:
.L_overlay_start_2:
0xd2: {  	(tag) =	ssettag $0x2  }
0xd3: {  	s0 =	rddreg [dreg:$0x0];
	s2 =	stileid.u32  }
0xd4: {  	s1 =	rddreg [dreg:$0x1];
	p0 =	sne.s32 s2, $0x0  }
0xd5: {  	s3 =	rddreg [dreg:$0x2];
	[bflag:$0x3] =	sbarrier.arrive $0xFFFF;
	s2 =	simm.s32 @!p0 $0x1C05  }
0xd6: {  	[timem:s3], [sflag:s2] =	dma.local @!p0 [hbm:s0], s1  }
0xd7: {  	s0 =	simm.s32 @!p0 $0x5  }
0xd8: {  	_ =	swait.ge @!p0 [sflag:s0], s1  }
0xd9: {  	s1 =	ssub.s32 @!p0 $0x0, s1;
	[sflag:s0] =	ssyncset.done @!p0 $0x0  }
0xda: {  	[sflag:s0] =	ssyncadd.s32 @!p0 s1  }
0xdb: {  	[bflag:$0x3] =	sbarrier.arrive $0xFFFF  }
0xdc: {  	_ =	shalt  }

// kernel: kernel.9.cloned.1.call-start
scs
__scs_entry_jumppad:
0x0: {  	(pc) =	sbr.rel $0x88, $3  }
0x1: {  	(tag) =	ssettag $0x0;
	lr =	simm.s32 $0x1  }
0x2: {  	[smem:$0x3F97] =	sst lr;
	_ =	strace $0xD0000000  }
0x3: {  	_ = 	snop  }
0x4: {  	_ = 	snop  }
0x5: {  	_ = 	snop  }
0x6: {  	_ = 	snop  }
0x7: {  	_ = 	snop  }
__scs_overlays_trampoline_lowered:
0x8: {  	[smem:$0x3FA6] =	sst s0  }
0x9: {  	[smem:$0x3FA7] =	sst s1  }
0xa: {  	[smem:$0x3FA8] =	sst s2  }
0xb: {  	[smem:$0x3FA9] =	sst s3  }
0xc: {  	[smem:$0x3FAA] =	sst s4  }
0xd: {  	[smem:$0x3FAB] =	sst s5  }
0xe: {  	[smem:$0x3FAC] =	sst s6  }
0xf: {  	[smem:$0x3FAD] =	sst s7  }
0x10: {  	[smem:$0x3FAE] =	sst s8  }
0x11: {  	[smem:$0x3FAF] =	sst s9;
	s0 =	simm.s32 @!p0 $0x0  }
0x12: {  	s1 =	sld [smem:$0x3F95];
	s0 =	simm.s32 @p0 $0x1  }
0x13: {  	[smem:$0x3FB0] =	sst s0;
	s0 =	simm.s32 @!p1 $0x0  }
0x14: {  	s2 =	sld [smem:$0x3F94];
	s0 =	simm.s32 @p1 $0x1  }
0x15: {  	[smem:$0x3FB1] =	sst s0;
	s0 =	simm.s32 @!p2 $0x0  }
0x16: {  	s3 =	sld [smem:$0x3FDB];
	s0 =	simm.s32 @p2 $0x1  }
0x17: {  	s4 =	simm.s32 $0x1BF5;
	[smem:$0x3FB3] =	sst s0  }
0x18: {  	s0 =	sld [smem:$0x3F96];
	_ =	swait.ge [sflag:s4], $0x0  }
0x19: {  	s7 =	sld [smem:$0x3F97]  }
0x1a: {  	s8 =	sadd.s32 $0xFFFFE003, lr  }
0x1b: {  	s9 =	sadd.s32 $0xFFFFFEF7, lr;
	s5 =	simm.s32 $0xFFFFFFFF;
	p2 =	slt.u32 s8, $0xFFFFF086  }
0x1c: {  	p1 =	slt.u32 s9, $0xF7A;
	s5 =	simm.s32 @!p2 $0x0  }
0x1d: {  	s5 =	simm.s32 @p1 $0x1;
	p0 =	seq.s32 s7, s2  }
0x1e: {  	s7 =	smul.u32 @!p0 $0xF7A, s2;
	p2 =	seq.s32 @!p0 s5, $0x0  }
0x1f: {  	s9 =	smul.u32 $0xF7A, s1;
	s8 =	simm.s32 @!p0 $0x1BF5;
	p2 =	por !p2, p0  }
0x20: {  	[sflag:s8] =	ssyncset.s32 @!p0 $0xFFFFF086;
	s6 =	sadd.s32 @!p0 s3, s7;
	s7 =	simm.s32 @!p0 $0x108  }
0x21: {  	s3 =	sadd.s32 s3, s9;
	s6 =	sadd.s32 @!p0 $0x88, s6;
	s7 =	simm.s32 @p2 $0x1082  }
0x22: {  	[simem:s7], [sflag:s8] =	dma.local @!p0 [hbm:s6], $0xF7A  }
0x23: {  	s9 =	sor.u32 $0xD0000000, s2;
	s6 =	simm.s32 $0x108;
	_ =	swait.ge @!p0 [sflag:s8], $0x0  }
0x24: {  	s3 =	sadd.s32 $0x88, s3;
	s6 =	simm.s32 @!p1 $0x1082;
	[sflag:s4] =	ssyncset.s32 $0xFFFFF086  }
0x25: {  	[simem:s6], [sflag:s4] =	dma.local [hbm:s3], $0xF7A  }
0x26: {  	[smem:$0x3F97] =	sst s1;
	(tag) =	ssettag s2;
	_ =	strace s9  }
0x27: {  	s1 =	sld [smem:$0x3FA7]  }
0x28: {  	s2 =	sld [smem:$0x3FA8]  }
0x29: {  	s4 =	sld [smem:$0x3FAA]  }
0x2a: {  	p0 =	seq.s32 s5, $0x0;
	s5 =	sld [smem:$0x3FAB]  }
0x2b: {  	s6 =	sld [smem:$0x3FAC]  }
0x2c: {  	s7 =	sld [smem:$0x3FAD]  }
0x2d: {  	s3 =	simm.s32 $0x108;
	s8 =	sld [smem:$0x3FAE]  }
0x2e: {  	s3 =	simm.s32 @!p0 $0x1082;
	s9 =	sld [smem:$0x3FAF]  }
0x2f: {  	lr =	sadd.s32 s0, s3;
	s0 =	sld [smem:$0x3FA6]  }
0x30: {  	s3 =	sld [smem:$0x3FA9]  }
0x31: {  	[smem:$0x3FB2] =	sst s10  }
0x32: {  	s10 =	sld [smem:$0x3FB0];
	_ =	sdelay $0x3  }
0x33: {  	p0 =	seq.s32 s10, $0x1;
	s10 =	sld [smem:$0x3FB2];
	_ =	sdelay $0x3  }
0x34: {  	[smem:$0x3FB2] =	sst s10  }
0x35: {  	s10 =	sld [smem:$0x3FB1];
	_ =	sdelay $0x3  }
0x36: {  	p1 =	seq.s32 s10, $0x1;
	s10 =	sld [smem:$0x3FB2];
	_ =	sdelay $0x3  }
0x37: {  	[smem:$0x3FB2] =	sst s10  }
0x38: {  	s10 =	sld [smem:$0x3FB3]  }
0x39: {  	_ = 	snop;
	(pc) =	sbr.ind lr, $3  }
0x3a: {  	_ = 	snop  }
0x3b: {  	_ = 	snop  }
0x3c: {  	p2 =	seq.s32 s10, $0x1;
	s10 =	sld [smem:$0x3FB2]  }
0x3d: {  	_ =	shalt  }
0x3e: {  	_ =	shalt  }
0x3f: {  	_ =	shalt  }
0x40: {  	_ =	shalt  }
0x41: {  	_ =	shalt  }
0x42: {  	_ =	shalt  }
0x43: {  	_ =	shalt  }
0x44: {  	_ =	shalt  }
0x45: {  	_ =	shalt  }
0x46: {  	_ =	shalt  }
0x47: {  	_ =	shalt  }
0x48: {  	_ =	shalt  }
0x49: {  	_ =	shalt  }
0x4a: {  	_ =	shalt  }
0x4b: {  	_ =	shalt  }
0x4c: {  	_ =	shalt  }
0x4d: {  	_ =	shalt  }
0x4e: {  	_ =	shalt  }
0x4f: {  	_ =	shalt  }
0x50: {  	_ =	shalt  }
0x51: {  	_ =	shalt  }
0x52: {  	_ =	shalt  }
0x53: {  	_ =	shalt  }
0x54: {  	_ =	shalt  }
0x55: {  	_ =	shalt  }
0x56: {  	_ =	shalt  }
0x57: {  	_ =	shalt  }
0x58: {  	_ =	shalt  }
0x59: {  	_ =	shalt  }
0x5a: {  	_ =	shalt  }
0x5b: {  	_ =	shalt  }
0x5c: {  	_ =	shalt  }
0x5d: {  	_ =	shalt  }
0x5e: {  	_ =	shalt  }
0x5f: {  	_ =	shalt  }
0x60: {  	_ =	shalt  }
0x61: {  	_ =	shalt  }
0x62: {  	_ =	shalt  }
0x63: {  	_ =	shalt  }
0x64: {  	_ =	shalt  }
0x65: {  	_ =	shalt  }
0x66: {  	_ =	shalt  }
0x67: {  	_ =	shalt  }
0x68: {  	_ =	shalt  }
0x69: {  	_ =	shalt  }
0x6a: {  	_ =	shalt  }
0x6b: {  	_ =	shalt  }
0x6c: {  	_ =	shalt  }
0x6d: {  	_ =	shalt  }
0x6e: {  	_ =	shalt  }
0x6f: {  	_ =	shalt  }
0x70: {  	_ =	shalt  }
0x71: {  	_ =	shalt  }
0x72: {  	_ =	shalt  }
0x73: {  	_ =	shalt  }
0x74: {  	_ =	shalt  }
0x75: {  	_ =	shalt  }
0x76: {  	_ =	shalt  }
0x77: {  	_ =	shalt  }
0x78: {  	_ =	shalt  }
0x79: {  	_ =	shalt  }
0x7a: {  	_ =	shalt  }
0x7b: {  	_ =	shalt  }
0x7c: {  	_ =	shalt  }
0x7d: {  	_ =	shalt  }
0x7e: {  	_ =	shalt  }
0x7f: {  	_ =	shalt  }
0x80: {  	_ =	shalt  }
0x81: {  	_ =	shalt  }
0x82: {  	_ =	shalt  }
0x83: {  	_ =	shalt  }
0x84: {  	_ =	shalt  }
0x85: {  	_ =	shalt  }
0x86: {  	_ =	shalt  }
0x87: {  	_ =	shalt  }
.Lfunc_end0:
.L_simem_size_0:
called_computation_lowered:
.L_overlay_start_0:
0x88: {  	s2 =	sld [smem:$0x3FD9]  }
0x89: {  	s3 =	sld [smem:$0x3FFE];
	_ =	sdelay $0x1  }
0x8a: {  	s1 =	srdreg.scid  }
0x8b: {  	s0 =	sand.u32 $0x1, s1  }
0x8c: {  	s14 =	sshll.u32 s0, $0xA;
	s2 =	sadd.s32 s3, s2  }
0x8d: {  	s2 =	sadd.s32 s2, s14  }
0x8e: {  	[smem:$0x3FBE] =	sst s2  }
0x8f: {  	_ = 	snop  }
0x90: {  	s2 =	sld [smem:$0x3FD0];
	_ =	sdelay $0x2  }
0x91: {  	s15 =	simm.s32 $0xA;
	s4 =	simm.s32 $0x10  }
0x92: {  	[smem:s4], [sflag:s15] =	dma.local [hbm:s2], $0x1  }
0x93: {  	_ =	swait.eq [sflag:s15], $0x1  }
0x94: {  	[sflag:s15] =	ssyncset.done $0x0  }
0x95: {  	[sflag:s15] =	ssyncadd.s32 $0xFFFFFFFF  }
0x96: {  	s16 =	sld [smem:$0x10];
	(tm) =	ssettm $0x1  }
0x97: {  	s17 =	sld [smem:$0x3FFB];
	_ =	sdelay $0x3  }
0x98: {  	_ =	strace s17  }
0x99: {  	s3 =	sld [smem:$0x3FFC];
	_ =	sdelay $0x3  }
0x9a: {  	_ =	strace s3  }
0x9b: {  	s3 =	sld [smem:$0x3FFD];
	_ =	sdelay $0x3  }
0x9c: {  	_ =	strace s3  }
0x9d: {  	_ =	strace $0x8FFFFFFF  }
0x9e: {  	s18 =	sld [smem:$0x3FDB];
	_ =	sdelay $0x1  }
0x9f: {  	s19 =	simm.s32 $_scs_section_size  }
0xa0: {  	s5 =	simm.s32 $_size__tile_overlayer_lowered;
	s6 =	simm.s32 $_tile_overlayer_lowered  }
0xa1: {  	s22 =	simm.s32 $0x1BFF;
	s21 =	sshll.u32 s6, $0x1;
	s3 =	sadd.s32 s19, s18  }
0xa2: {  	s7 =	simm.s32 $0x0;
	s20 =	sshll.u32 s5, $0x1;
	s5 =	sadd.s32 s21, s3  }
0xa3: {  	[timem:s7], [sflag:s22] =	dma.local [hbm:s5], s20  }
0xa4: {  	_ =	swait.ge [sflag:s22], s20  }
0xa5: {  	s4 =	ssub.s32 $0x0, s20;
	[sflag:s22] =	ssyncset.done $0x0  }
0xa6: {  	[sflag:s22] =	ssyncadd.s32 s4;
	_ =	sdelay $0x1  }
0xa7: {  	s23 =	simm.s32 $0x1B8B  }
0xa8: {  	_ =	swait.ge [sflag:s23], $0x1  }
0xa9: {  	[sflag:s23] =	ssyncset.done $0x0  }
0xaa: {  	s25 =	simm.s32 $0x1B8E;
	s24 =	sld [smem:$0x3FFE];
	[sflag:s23] =	ssyncadd.s32 $0xFFFFFFFF  }
0xab: {  	s26 =	simm.s32 $execute0_lowered;
	[smem:$0x3FD2] =	sst s25  }
0xac: {  	s5 =	sshll.u32 s26, $0x1;
	_ =	strace $0x80000046;
	[dreg:$0x1] =	wrdreg $0xFFFFFFFF  }
0xad: {  	s28 =	simm.s32 $_size_execute0_lowered;
	s3 =	sadd.s32 s3, s5;
	[dreg:$0x0] =	wrdreg $0x0  }
0xae: {  	s5 =	sshll.u32 s28, $0x1;
	[dreg:$0x2] =	wrdreg s3  }
0xaf: {  	[dreg:$0x3] =	wrdreg s5  }
0xb0: {  	[dreg:$0x4] =	wrdreg $0xC0  }
0xb1: {  	_ =	task [dreg:s7], $0x5FFFF  }
0xb2: {  	[dreg:$0x1] =	wrdreg $0xFFFFFFFF  }
0xb3: {  	[dreg:$0x0] =	wrdreg $0x60  }
0xb4: {  	[dreg:$0x2] =	wrdreg s24  }
0xb5: {  	[dreg:$0x3] =	wrdreg s16  }
0xb6: {  	[dreg:$0x4] =	wrdreg $0x68000  }
0xb7: {  	[dreg:$0x5] =	wrdreg $0x9  }
0xb8: {  	_ =	task.clear_ibuf [dreg:s7], $0x6FFFF;
	_ =	strace $0x90000046  }
0xb9: {  	s29 =	simm.s32 $0x9;
	_ =	strace $0x80000048  }
0xba: {  	_ =	swait.ge [sflag:s29], $0x1  }
0xbb: {  	[sflag:s29] =	ssyncadd.s32 $0xFFFFFFFF  }
0xbc: {  	_ =	strace $0x90000048  }
0xbd: {  	_ =	sfence  }
0xbe: {  	s30 =	sld [smem:$0x0];
	_ =	sdelay $0x2  }
0xbf: {  	s31 =	sshll.u32 s1, $0xD;
	s1 =	sshrl.u32 s1, $0x2  }
0xc0: {  	s3 =	sand.u32 $0x4000, s31;
	s1 =	sadd.s32 s1, s30  }
0xc1: {  	s0 =	sor.u32 s3, s0;
	s1 =	sshll.u32 s1, $0x11  }
0xc2: {  	s0 =	sor.u32 s1, s0  }
0xc3: {  	s0 =	sadd.s32 $0x8F2B, s0  }
0xc4: {  	[sflag:s0] =	ssyncadd.remote.s32 $0x1  }
0xc5: {  	_ =	sfence.sel $0xFFFF  }
0xc6: {  	[dreg:$0x0] =	wrdreg $0xFFFFFFFF;
	(pc) =	sbr.abs _section_cstart, $3  }
0xc7: {  	[dreg:$0x1] =	wrdreg $0xFFFFFFFF  }
0xc8: {  	_ =	task.clear_ibuf [dreg:s7], $0x2FFFF;
	_ =	strace $0x9FFFFFFF  }
0xc9: {  	(tm) =	ssettm $0x7FFFFFFF  }
tec
execute0_lowered:
.L_overlay_start_1:
0x0: {  	(tag) =	ssettag $0x1  }
0x1: {  	s5 =	rddreg [dreg:$0x0]  }
0x2: {  	s0 =	srdreg.scid;
	s8 =	rddreg [dreg:$0x1]  }
0x3: {  	s2 =	rddreg [dreg:$0x2];
	s4 =	sand.u32 $0x1, s0;
	s0 =	stileid.u32  }
0x4: {  	s3 =	simm.s32 $0x0;
	s13 =	simm.s32 $0x80;
	s7 =	smul.u32 $0x4F000, s0  }
0x5: {  	s14 =	simm.s32 $0x0;
	[smem:$0x7FF] =	sst s3;
	s9 =	smul.u32 $0x13C000, s4  }
0x6: {  	s1 =	sshll.u32 s4, $0x4;
	s26 =	ssub.s32 $0x2, s4;
	s11 =	smul.u32 $0x13C00, s0  }
0x7: {  	s4 =	sadd.s32 $0xCC00, s5;
	s31 =	sshll.u32 s0, $0x6;
	s6 =	sor.u32 s0, s1  }
0x8: {  	s1 =	rddreg [dreg:$0x3];
	_ =	strace $0x80000047;
	s12 =	sshrl.u32 s26, $0x1  }
0x9: {  	s6 =	smul.u32 $0x500, s6;
	s12 =	ssub.s32 s26, s12;
	s28 =	sshrl.u32 s7, $0x2  }
0xa: {  	s29 =	sadd.s32 s11, s9;
	s11 =	simm.s32 $0x1;
	s30 =	sadd.s32 s28, s2  }
0xb: {  	s9 =	sshrl.u32 s29, $0x3;
	s10 =	sadd.s32 s6, s5;
	s5 =	sadd.s32 $0xC400, s5  }
0xc: {  	s6 =	sor.u32 $0x1C01, s31;
	s8 =	sadd.s32 s8, s9;
	s9 =	smax.u32 s12, $0x1  }
0xd: {  	s12 =	simm.s32 $0x2800;
	s7 =	sadd.s32 $0x2400, s10;
	s10 =	sshrl.u32 s30, $0x3  }
.LBB2_1:
0xe: {  	[spmem:s10], [sflag:s6] =	dma.local [hbm:s4], $0x2780  }
0xf: {  	_ =	swait.ge [sflag:s11], $0x2780  }
0x10: {  	[sflag:s11] =	ssyncset.done $0x0  }
0x11: {  	[sflag:s11] =	ssyncadd.s32 $0xFFFFD880  }
0x12: {  	[tilespmem:s3], [sflag:$0x1] =	stream.linear.gather [hbm4b:s7+s3], $0x2780, $0x38;
	[tilespmem:$0x1A400] =	vst v63  }
0x13: {  	_ =	swait.ge [sflag:s11], $0x2780  }
0x14: {  	[sflag:s11] =	ssyncset.done $0x0  }
0x15: {  	[sflag:s11] =	ssyncadd.s32 $0xFFFFD880  }
0x16: {  	[tilespmem:s12], [sflag:$0x1] =	stream.linear.gather [hbm4b:s5+s3], $0x4000, $0x38;
	[tilespmem:$0x1A400] =	vst v63  }
0x17: {  	_ =	swait.ge [sflag:s11], $0x4000  }
0x18: {  	[sflag:s11] =	ssyncset.done $0x0  }
0x19: {  	[sflag:s11] =	ssyncadd.s32 $0xFFFFC000  }
0x1a: {  	s15 =	simm.s32 $0x0;
	[bflag:$0x0] =	sbarrier.arrive $0xFFFF  }
0x1b: {  	[spmem:s2] =	stream.indirect.scatter.add.f32 [tilespmem:s12], [sflag:$0x1], $0x80, s15, s13, $0xb8;
	[tilespmem:$0x1A400] =	vst v63  }
0x1c: {  	_ =	swait.ge [sflag:s11], $0x4000  }
0x1d: {  	s15 =	simm.s32 $0x200;
	[sflag:s11] =	ssyncset.done $0x0  }
.LBB2_2:
0x1e: {  	s16 =	sshra.s32 s15, $0x2;
	[sflag:s11] =	ssyncadd.s32 $0xFFFFC000;
	p0 =	sne.s32 s15, $0x9C00  }
0x1f: {  	[spmem:s2] =	stream.indirect.scatter.add.f32 [tilespmem:s12], [sflag:$0x1], $0x80, s16, s13, $0xb8;
	[tilespmem:$0x1A400] =	vst v63  }
.Ltmp0:
0x20: {  	_ = 	snop;
	(pc) =	sbr.rel @p0 .LBB2_2-.Ltmp0, $4  }
0x21: {  	_ = 	snop  }
0x22: {  	s15 =	sadd.s32 $0x200, s15  }
0x23: {  	_ =	swait.ge [sflag:s11], $0x4000  }
0x24: {  	[sflag:s11] =	ssyncset.done $0x0  }
0x25: {  	s14 =	sadd.s32 $0x1, s14  }
0x26: {  	[sflag:s11] =	ssyncadd.s32 $0xFFFFC000;
	p0 =	sne.s32 s14, s9  }
.Ltmp1:
0x27: {  	[bflag:$0x0] =	sbarrier.arrive $0xFFFF;
	(pc) =	sbr.rel @p0 .LBB2_1-.Ltmp1, $4  }
0x28: {  	[hbm:s8], [sflag:s6] =	dma.local [spmem:s10], $0x2780  }
0x29: {  	_ =	swait.ge [sflag:s11], $0x2780  }
0x2a: {  	[sflag:s11] =	ssyncset.done $0x0  }
0x2b: {  	[sflag:s11] =	ssyncadd.s32 $0xFFFFD880  }
0x2c: {  	_ =	sfence.sel $0x180000  }
0x2d: {  	[bflag:$0x0] =	sbarrier.arrive $0xFFFF  }
0x2e: {  	p0 =	sne.s32 s0, $0x0;
	_ =	strace $0x90000047  }
0x2f: {  	s0 =	sadd.s32 @!p0 $0x100000, s1;
	[bflag:$0x2] =	sbarrier.arrive $0xFFFF  }
0x30: {  	[sflag:s0] =	ssyncadd.tile.s32 @!p0 $0x1;
	_ =	shalt  }
.Lfunc_end2:
_tile_overlayer_lowered:
.L_overlay_start_2:
0x31: {  	(tag) =	ssettag $0x2  }
0x32: {  	s0 =	rddreg [dreg:$0x0];
	s2 =	stileid.u32  }
0x33: {  	s1 =	rddreg [dreg:$0x1];
	p0 =	sne.s32 s2, $0x0  }
0x34: {  	s3 =	rddreg [dreg:$0x2];
	[bflag:$0x3] =	sbarrier.arrive $0xFFFF;
	s2 =	simm.s32 @!p0 $0x1C01  }
0x35: {  	[timem:s3], [sflag:s2] =	dma.local @!p0 [hbm:s0], s1  }
0x36: {  	s0 =	simm.s32 @!p0 $0x1  }
0x37: {  	_ =	swait.ge @!p0 [sflag:s0], s1  }
0x38: {  	s1 =	ssub.s32 @!p0 $0x0, s1;
	[sflag:s0] =	ssyncset.done @!p0 $0x0  }
0x39: {  	[sflag:s0] =	ssyncadd.s32 @!p0 s1  }
0x3a: {  	[bflag:$0x3] =	sbarrier.arrive $0xFFFF  }
0x3b: {  	_ =	shalt  }

</sc_bundles>
